<compile_context>
chip_gen: v7x
topology: tpu7x:2x2x1
jax: 0.10.2.dev20260603
libtpu: 0.0.44.dev20260713+nightly
codegen_flags: <defaults>
</compile_context>

<pallas_src>
import functools

import jax
import jax.numpy as jnp
from jax import lax
from jax.experimental import pallas as pl
from jax.experimental.pallas import tpu as pltpu
from jax.experimental.pallas import tpu_sc as plsc

NC = 2
NS = 16
NW = NC * NS
LANES = 16

VOCAB = 1000000
DIM = 64
OUT = 2
B = 4096
L = 200

HALF = L // 2
ROWS_PER_W = B // NW
CHUNKS_PER_W = 2 * ROWS_PER_W

_PROJ_BLK = 8192


_PROJ_SUB = _PROJ_BLK // 8
_N_BLOCKS = pl.cdiv(VOCAB, _PROJ_BLK)
_P_ROWS = _N_BLOCKS * _PROJ_SUB
_P_CHUNKS = _P_ROWS * 8


def _proj_body(tt_ref, w_ref, o_ref):
    parts = []
    for q in range(8):
        sub = tt_ref[:, q * _PROJ_SUB:(q + 1) * _PROJ_SUB]
        parts.append(lax.dot_general(
            sub, w_ref[...],
            dimension_numbers=(((0,), (1,)), ((), ())),
            preferred_element_type=jnp.float32,
        ))
    packed = jnp.concatenate(parts, axis=1)
    o_ref[...] = packed.reshape(_PROJ_SUB * 8 * LANES)


def _project(table_t, w16):
    return pl.pallas_call(
        _proj_body,
        grid=(_N_BLOCKS,),
        in_specs=[
            pl.BlockSpec((DIM, _PROJ_BLK), lambda i: (0, i)),
            pl.BlockSpec((LANES, DIM), lambda i: (0, 0)),
        ],
        out_specs=pl.BlockSpec((_PROJ_SUB * 8 * LANES,), lambda i: (i,)),
        out_shape=jax.ShapeDtypeStruct((_P_ROWS * 8 * LANES,), jnp.float32),
    )(table_t, w16)


IDX_PER_W = ROWS_PER_W * L
STREAM_IDX = 1600
N_STREAMS = IDX_PER_W // STREAM_IDX
ROWS_PER_STREAM = STREAM_IDX // L


def _pool_body(idx_hbm, p_hbm, bias_hbm, out_hbm, idx_v, rows_v, res_v, bias_v,
               sem0, sem1):
    wid = lax.axis_index("s") * NC + lax.axis_index("c")
    pltpu.sync_copy(idx_hbm.at[wid], idx_v)
    pltpu.sync_copy(bias_hbm, bias_v)
    inv_l = jnp.float32(1.0 / L)
    bias = bias_v[...]
    sems = (sem0, sem1)

    def fire(g):
        buf = g % 2
        return pltpu.async_copy(
            p_hbm.at[idx_v.at[pl.ds(g * STREAM_IDX, STREAM_IDX)]],
            rows_v.at[buf], sems[buf])

    pend = fire(0)
    for g in range(N_STREAMS):
        nxt = fire(g + 1) if g + 1 < N_STREAMS else None
        pend.wait()
        buf = g % 2

        def row_body(bloc, _):
            def red(i, a):
                a0, a1, a2, a3 = a
                base = bloc * L + 4 * i
                a0 = a0 + rows_v[buf, base, :]
                a1 = a1 + rows_v[buf, base + 1, :]
                a2 = a2 + rows_v[buf, base + 2, :]
                a3 = a3 + rows_v[buf, base + 3, :]
                return (a0, a1, a2, a3)

            z = jnp.zeros((LANES,), jnp.float32)
            a0, a1, a2, a3 = lax.fori_loop(0, L // 4, red, (z, z, z, z))
            total = (a0 + a1) + (a2 + a3)
            res_v[g * ROWS_PER_STREAM + bloc, :] = total * inv_l + bias
            return 0

        lax.fori_loop(0, ROWS_PER_STREAM, row_body, 0)
        pend = nxt
    pltpu.sync_copy(res_v, out_hbm.at[pl.ds(wid * ROWS_PER_W, ROWS_PER_W)])


@functools.cache
def _pool():
    return pl.kernel(
        _pool_body,
        out_type=jax.ShapeDtypeStruct((B, LANES), jnp.float32),
        mesh=plsc.VectorSubcoreMesh(
            core_axis_name="c", subcore_axis_name="s",
            num_cores=NC, num_subcores=NS,
        ),
        scratch_types=[
            pltpu.VMEM((IDX_PER_W,), jnp.int32),
            pltpu.VMEM((2, STREAM_IDX, LANES), jnp.float32),
            pltpu.VMEM((ROWS_PER_W, LANES), jnp.float32),
            pltpu.VMEM((LANES,), jnp.float32),
            pltpu.SemaphoreType.DMA,
            pltpu.SemaphoreType.DMA,
        ],
        compiler_params=pltpu.CompilerParams(use_tc_tiling_on_sc=False),
    )


@jax.jit
def kernel(text, table, W, b):
    w16 = jnp.zeros((LANES, DIM), jnp.float32).at[:OUT].set(W)
    bias16 = jnp.zeros((LANES,), jnp.float32).at[:OUT].set(b)
    p = _project(table.T, w16).reshape(_P_CHUNKS, LANES)
    v = text.astype(jnp.int32)
    remap = (v & -8192) | ((v & 1023) << 3) | ((v >> 10) & 7)
    idx = remap.reshape(NW, IDX_PER_W)
    pooled = _pool()(idx, p, bias16)
    return pooled[:, :OUT]

# --- scband reference (transcript-rebuilt; emitter-appended) ---
"""Pipeline reference for scband-word-avgmodel-2559800508718 (READ-ONLY COPY).

The authoritative reference and input builder live on the scoring server;
editing this copy changes nothing except your own understanding.
"""

import jax, jax.numpy as jnp
import numpy as np

VOCAB = 1000000
DIM = 64
OUT = 2
B = 4096
L = 200


def setup_inputs(seed: int = 0) -> dict:
    key = jax.random.key(seed)
    k1, k2, k3 = jax.random.split(key, 3)
    text = jax.random.randint(k1, (B, L), 0, VOCAB)
    table = jax.random.normal(k2, (VOCAB, DIM), dtype=jnp.float32) * 0.02
    # padding_idx=0 -> row 0 initialized to zeros, as in nn.Embedding(padding_idx=0)
    table = table.at[0].set(0.0)
    W = jax.random.normal(k3, (OUT, DIM), dtype=jnp.float32) * 0.1
    b = jnp.zeros((OUT,), dtype=jnp.float32)
    return {"text": text, "table": table, "W": W, "b": b}


def reference(text, table, W, b):
    # embedding lookup (gather)
    embedded = jnp.take(table, text, axis=0)  # [B, L, D]
    # dropout is identity in eval / deterministic mode
    # avg_pool2d over (L, 1) followed by squeeze(1) == mean over seq dim
    pooled = jnp.mean(embedded, axis=1)  # [B, D]
    # fc
    return pooled @ W.T + b  # [B, OUT]

if __name__ == "__main__":
    import jax
    _d = setup_inputs()
    print(jax.jit(kernel)(*tuple(_d.values())))

</pallas_src>

<mosaic_0001>
#map = affine_map<(d0, d1) -> (0, 0)>
#map1 = affine_map<(d0, d1) -> (0)>
module attributes {stable_mosaic.version = 14 : i64} {
  func.func @_pool_body(%arg0: i32, %arg1: i32, %arg2: memref<32x25600xi32, #tpu.memory_space<hbm>>, %arg3: memref<1007616x16xf32, #tpu.memory_space<hbm>>, %arg4: memref<16xf32, #tpu.memory_space<hbm>>, %arg5: memref<4096x16xf32, #tpu.memory_space<hbm>>, %arg6: memref<25600xi32, #tpu.memory_space<vmem>>, %arg7: memref<2x1600x16xf32, #tpu.memory_space<vmem>>, %arg8: memref<128x16xf32, #tpu.memory_space<vmem>>, %arg9: memref<16xf32, #tpu.memory_space<vmem>>, %arg10: memref<!tpu.dma_semaphore, #tpu.memory_space<semaphore_mem>>, %arg11: memref<!tpu.dma_semaphore, #tpu.memory_space<semaphore_mem>>) attributes {dimension_semantics = [#tpu.dimension_semantics<core_parallel>, #tpu.dimension_semantics<subcore_parallel>], iteration_bounds = array<i64: 2, 16>, scalar_prefetch = 0 : i64, scratch_operands = 6 : i64, tpu.core_type = #tpu.core_type<sc_vector_subcore>, window_params = [{transform_indices = #map}, {transform_indices = #map}, {transform_indices = #map1}, {transform_indices = #map}]} {
    %mul3A = arith.constant 2 : i32
    %mul3A_0 = arith.muli %arg1, %mul3A : i32
    %add3A = arith.addi %mul3A_0, %arg0 : i32
    "tpu.region"() ({
      %run_scoped3A = tpu.sem_alloc : memref<!tpu.dma_semaphore, #tpu.memory_space<semaphore_mem>>
      %dma_start3A_450 = arith.constant 0 : i32
      %dma_start3A_451 = tpu.memref_slice %arg2[%add3A, %dma_start3A_450] : memref<32x25600xi32, #tpu.memory_space<hbm>> -> memref<1x25600xi32, #tpu.memory_space<hbm>>
      %dma_start3A_452 = tpu.memref_squeeze %dma_start3A_451 : memref<1x25600xi32, #tpu.memory_space<hbm>> -> memref<25600xi32, #tpu.memory_space<hbm>>
      %dma_start3A_453 = arith.constant 0 : i32
      %dma_start3A_454 = tpu.memref_slice %arg2[%add3A, %dma_start3A_453] : memref<32x25600xi32, #tpu.memory_space<hbm>> -> memref<1x25600xi32, #tpu.memory_space<hbm>>
      %dma_start3A_455 = tpu.memref_squeeze %dma_start3A_454 : memref<1x25600xi32, #tpu.memory_space<hbm>> -> memref<25600xi32, #tpu.memory_space<hbm>>
      tpu.enqueue_dma source(%dma_start3A_455 : memref<25600xi32, #tpu.memory_space<hbm>>) target(%arg6 : memref<25600xi32, #tpu.memory_space<vmem>>) target_semaphore(%run_scoped3A : memref<!tpu.dma_semaphore, #tpu.memory_space<semaphore_mem>>)
      %dma_wait3A_456 = arith.constant 0 : i32
      %dma_wait3A_457 = tpu.memref_slice %arg2[%add3A, %dma_wait3A_456] : memref<32x25600xi32, #tpu.memory_space<hbm>> -> memref<1x25600xi32, #tpu.memory_space<hbm>>
      %dma_wait3A_458 = tpu.memref_squeeze %dma_wait3A_457 : memref<1x25600xi32, #tpu.memory_space<hbm>> -> memref<25600xi32, #tpu.memory_space<hbm>>
      %dma_wait3A_459 = arith.constant 0 : i32
      %dma_wait3A_460 = tpu.memref_slice %arg2[%add3A, %dma_wait3A_459] : memref<32x25600xi32, #tpu.memory_space<hbm>> -> memref<1x25600xi32, #tpu.memory_space<hbm>>
      %dma_wait3A_461 = tpu.memref_squeeze %dma_wait3A_460 : memref<1x25600xi32, #tpu.memory_space<hbm>> -> memref<25600xi32, #tpu.memory_space<hbm>>
      tpu.wait_dma2 semaphore(%run_scoped3A : memref<!tpu.dma_semaphore, #tpu.memory_space<semaphore_mem>>) src(%dma_wait3A_461 : memref<25600xi32, #tpu.memory_space<hbm>>) dst(%arg6 : memref<25600xi32, #tpu.memory_space<vmem>>)
      tpu.yield
    }) : () -> ()
    "tpu.region"() ({
      %run_scoped3A = tpu.sem_alloc : memref<!tpu.dma_semaphore, #tpu.memory_space<semaphore_mem>>
      tpu.enqueue_dma source(%arg4 : memref<16xf32, #tpu.memory_space<hbm>>) target(%arg9 : memref<16xf32, #tpu.memory_space<vmem>>) target_semaphore(%run_scoped3A : memref<!tpu.dma_semaphore, #tpu.memory_space<semaphore_mem>>)
      tpu.wait_dma2 semaphore(%run_scoped3A : memref<!tpu.dma_semaphore, #tpu.memory_space<semaphore_mem>>) src(%arg4 : memref<16xf32, #tpu.memory_space<hbm>>) dst(%arg9 : memref<16xf32, #tpu.memory_space<vmem>>)
      tpu.yield
    }) : () -> ()
    %get3A = arith.constant 0 : index
    %get3A_1 = tpu.vector_load %arg9[%get3A] {strides = array<i32>} : memref<16xf32, #tpu.memory_space<vmem>>, vector<16xf32>,
    %get3A_2 = vector.shape_cast %get3A_1 : vector<16xf32> to vector<16xf32>
    %dma_start3A = arith.constant 0 : i32
    %dma_start3A_3 = arith.constant 0 : i32
    %dma_start3A_4 = arith.constant 0 : i32
    %dma_start3A_5 = tpu.memref_slice %arg7[%dma_start3A, %dma_start3A_3, %dma_start3A_4] : memref<2x1600x16xf32, #tpu.memory_space<vmem>> -> memref<1x1600x16xf32, #tpu.memory_space<vmem>>
    %dma_start3A_6 = tpu.memref_squeeze %dma_start3A_5 : memref<1x1600x16xf32, #tpu.memory_space<vmem>> -> memref<1600x16xf32, #tpu.memory_space<vmem>>
    %dma_start3A_7 = arith.constant 0 : i32
    %dma_start3A_8 = tpu.memref_slice %arg6[%dma_start3A_7] : memref<25600xi32, #tpu.memory_space<vmem>> -> memref<1600xi32, #tpu.memory_space<vmem>>
    %dma_start3A_9 = arith.constant 0 : i32
    %dma_start3A_10 = arith.constant 0 : i32
    %dma_start3A_11 = tpu.memref_slice %arg3[%dma_start3A_9, %dma_start3A_10] : memref<1007616x16xf32, #tpu.memory_space<hbm>> -> memref<1007616x16xf32, #tpu.memory_space<hbm>>
    tpu.enqueue_indirect_dma source(%dma_start3A_11 : memref<1007616x16xf32, #tpu.memory_space<hbm>>) target(%dma_start3A_6 : memref<1600x16xf32, #tpu.memory_space<vmem>>) offsets(%dma_start3A_8 : memref<1600xi32, #tpu.memory_space<vmem>>) semaphore(%arg10 : memref<!tpu.dma_semaphore, #tpu.memory_space<semaphore_mem>>)
    %dma_start3A_12 = arith.constant 1 : i32
    %dma_start3A_13 = arith.constant 0 : i32
    %dma_start3A_14 = arith.constant 0 : i32
    %dma_start3A_15 = tpu.memref_slice %arg7[%dma_start3A_12, %dma_start3A_13, %dma_start3A_14] : memref<2x1600x16xf32, #tpu.memory_space<vmem>> -> memref<1x1600x16xf32, #tpu.memory_space<vmem>>
    %dma_start3A_16 = tpu.memref_squeeze %dma_start3A_15 : memref<1x1600x16xf32, #tpu.memory_space<vmem>> -> memref<1600x16xf32, #tpu.memory_space<vmem>>
    %dma_start3A_17 = arith.constant 1600 : i32
    %dma_start3A_18 = tpu.memref_slice %arg6[%dma_start3A_17] : memref<25600xi32, #tpu.memory_space<vmem>> -> memref<1600xi32, #tpu.memory_space<vmem>>
    %dma_start3A_19 = arith.constant 0 : i32
    %dma_start3A_20 = arith.constant 0 : i32
    %dma_start3A_21 = tpu.memref_slice %arg3[%dma_start3A_19, %dma_start3A_20] : memref<1007616x16xf32, #tpu.memory_space<hbm>> -> memref<1007616x16xf32, #tpu.memory_space<hbm>>
    tpu.enqueue_indirect_dma source(%dma_start3A_21 : memref<1007616x16xf32, #tpu.memory_space<hbm>>) target(%dma_start3A_16 : memref<1600x16xf32, #tpu.memory_space<vmem>>) offsets(%dma_start3A_18 : memref<1600xi32, #tpu.memory_space<vmem>>) semaphore(%arg11 : memref<!tpu.dma_semaphore, #tpu.memory_space<semaphore_mem>>)
    %dma_wait3A = arith.constant 0 : i32
    %dma_wait3A_22 = arith.constant 0 : i32
    %dma_wait3A_23 = arith.constant 0 : i32
    %dma_wait3A_24 = tpu.memref_slice %arg7[%dma_wait3A, %dma_wait3A_22, %dma_wait3A_23] : memref<2x1600x16xf32, #tpu.memory_space<vmem>> -> memref<1x1600x16xf32, #tpu.memory_space<vmem>>
    %dma_wait3A_25 = tpu.memref_squeeze %dma_wait3A_24 : memref<1x1600x16xf32, #tpu.memory_space<vmem>> -> memref<1600x16xf32, #tpu.memory_space<vmem>>
    %dma_wait3A_26 = arith.constant 0 : i32
    %dma_wait3A_27 = tpu.memref_slice %arg6[%dma_wait3A_26] : memref<25600xi32, #tpu.memory_space<vmem>> -> memref<1600xi32, #tpu.memory_space<vmem>>
    %dma_wait3A_28 = arith.constant 0 : i32
    %dma_wait3A_29 = arith.constant 0 : i32
    %dma_wait3A_30 = tpu.memref_slice %arg3[%dma_wait3A_28, %dma_wait3A_29] : memref<1007616x16xf32, #tpu.memory_space<hbm>> -> memref<1007616x16xf32, #tpu.memory_space<hbm>>
    tpu.wait_indirect_dma semaphore(%arg10 : memref<!tpu.dma_semaphore, #tpu.memory_space<semaphore_mem>>) src(%dma_wait3A_30 : memref<1007616x16xf32, #tpu.memory_space<hbm>>) dst(%dma_wait3A_25 : memref<1600x16xf32, #tpu.memory_space<vmem>>)
    %scan3A = arith.constant 5.000000e-03 : f32
    %scan3A_31 = arith.constant 0 : i32
    %scan3A_32 = arith.constant 0 : i32
    %scan3A_33 = arith.constant 8 : i32
    %scan3A_34 = arith.addi %scan3A_32, %scan3A_33 : i32
    %scan3A_35 = arith.constant 1 : i32
    %scan3A_36 = scf.for %scan3A_450 = %scan3A_32 to %scan3A_34 step %scan3A_35 iter_args(%scan3A_451 = %scan3A_31) -> (i32)  : i32 {
      %broadcast_in_dim3A = arith.constant 0.000000e+00 : f32
      %broadcast_in_dim3A_452 = vector.broadcast %broadcast_in_dim3A : f32 to vector<16xf32>
      %scan3A_453 = arith.constant 0 : i32
      %scan3A_454 = arith.constant 50 : i32
      %scan3A_455 = arith.addi %scan3A_453, %scan3A_454 : i32
      %scan3A_456 = arith.constant 1 : i32
      %scan3A_457:4 = scf.for %scan3A_472 = %scan3A_453 to %scan3A_455 step %scan3A_456 iter_args(%scan3A_473 = %broadcast_in_dim3A_452, %scan3A_474 = %broadcast_in_dim3A_452, %scan3A_475 = %broadcast_in_dim3A_452, %scan3A_476 = %broadcast_in_dim3A_452) -> (vector<16xf32>, vector<16xf32>, vector<16xf32>, vector<16xf32>)  : i32 {
        %mul3A_477 = arith.constant 200 : i32
        %mul3A_478 = arith.muli %scan3A_450, %mul3A_477 : i32
        %mul3A_479 = arith.constant 4 : i32
        %mul3A_480 = arith.muli %mul3A_479, %scan3A_472 : i32
        %add3A_481 = arith.addi %mul3A_478, %mul3A_480 : i32
        %get3A_482 = arith.constant 0 : i32
        %get3A_483 = arith.index_cast %get3A_482 : i32 to index
        %get3A_484 = arith.index_cast %add3A_481 : i32 to index
        %get3A_485 = arith.constant 0 : index
        %get3A_486 = tpu.vector_load %arg7[%get3A_483, %get3A_484, %get3A_485] {strides = array<i32>} : memref<2x1600x16xf32, #tpu.memory_space<vmem>>, vector<1x1x16xf32>,
        %get3A_487 = vector.shape_cast %get3A_486 : vector<1x1x16xf32> to vector<16xf32>
        %add3A_488 = arith.addf %scan3A_473, %get3A_487 : vector<16xf32>
        %add3A_489 = arith.constant 1 : i32
        %add3A_490 = arith.addi %add3A_481, %add3A_489 : i32
        %get3A_491 = arith.constant 0 : i32
        %get3A_492 = arith.index_cast %get3A_491 : i32 to index
        %get3A_493 = arith.index_cast %add3A_490 : i32 to index
        %get3A_494 = arith.constant 0 : index
        %get3A_495 = tpu.vector_load %arg7[%get3A_492, %get3A_493, %get3A_494] {strides = array<i32>} : memref<2x1600x16xf32, #tpu.memory_space<vmem>>, vector<1x1x16xf32>,
        %get3A_496 = vector.shape_cast %get3A_495 : vector<1x1x16xf32> to vector<16xf32>
        %add3A_497 = arith.addf %scan3A_474, %get3A_496 : vector<16xf32>
        %add3A_498 = arith.constant 2 : i32
        %add3A_499 = arith.addi %add3A_481, %add3A_498 : i32
        %get3A_500 = arith.constant 0 : i32
        %get3A_501 = arith.index_cast %get3A_500 : i32 to index
        %get3A_502 = arith.index_cast %add3A_499 : i32 to index
        %get3A_503 = arith.constant 0 : index
        %get3A_504 = tpu.vector_load %arg7[%get3A_501, %get3A_502, %get3A_503] {strides = array<i32>} : memref<2x1600x16xf32, #tpu.memory_space<vmem>>, vector<1x1x16xf32>,
        %get3A_505 = vector.shape_cast %get3A_504 : vector<1x1x16xf32> to vector<16xf32>
        %add3A_506 = arith.addf %scan3A_475, %get3A_505 : vector<16xf32>
        %add3A_507 = arith.constant 3 : i32
        %add3A_508 = arith.addi %add3A_481, %add3A_507 : i32
        %get3A_509 = arith.constant 0 : i32
        %get3A_510 = arith.index_cast %get3A_509 : i32 to index
        %get3A_511 = arith.index_cast %add3A_508 : i32 to index
        %get3A_512 = arith.constant 0 : index
        %get3A_513 = tpu.vector_load %arg7[%get3A_510, %get3A_511, %get3A_512] {strides = array<i32>} : memref<2x1600x16xf32, #tpu.memory_space<vmem>>, vector<1x1x16xf32>,
        %get3A_514 = vector.shape_cast %get3A_513 : vector<1x1x16xf32> to vector<16xf32>
        %add3A_515 = arith.addf %scan3A_476, %get3A_514 : vector<16xf32>
        scf.yield %add3A_488, %add3A_497, %add3A_506, %add3A_515 : vector<16xf32>, vector<16xf32>, vector<16xf32>, vector<16xf32>
      }
      %scan3A_458 = arith.constant 50 : i32
      %add3A_459 = arith.addf %scan3A_457#0, %scan3A_457#1 : vector<16xf32>
      %add3A_460 = arith.addf %scan3A_457#2, %scan3A_457#3 : vector<16xf32>
      %add3A_461 = arith.addf %add3A_459, %add3A_460 : vector<16xf32>
      %mul3A_462 = vector.broadcast %scan3A : f32 to vector<16xf32>
      %mul3A_463 = arith.mulf %add3A_461, %mul3A_462 : vector<16xf32>
      %add3A_464 = arith.addf %mul3A_463, %get3A_2 : vector<16xf32>
      %add3A_465 = arith.constant 0 : i32
      %add3A_466 = arith.addi %add3A_465, %scan3A_450 : i32
      %swap3A = arith.index_cast %add3A_466 : i32 to index
      %swap3A_467 = arith.constant 0 : index
      %swap3A_468 = tpu.vector_load %arg8[%swap3A, %swap3A_467] {strides = array<i32>} : memref<128x16xf32, #tpu.memory_space<vmem>>, vector<1x16xf32>,
      %swap3A_469 = vector.shape_cast %swap3A_468 : vector<1x16xf32> to vector<16xf32>
      %swap3A_470 = vector.shape_cast %add3A_464 : vector<16xf32> to vector<1x16xf32>
      tpu.vector_store %arg8[%swap3A, %swap3A_467], %swap3A_470 {strides = array<i32>} : memref<128x16xf32, #tpu.memory_space<vmem>>, vector<1x16xf32>,
      %scan3A_471 = arith.constant 0 : i32
      scf.yield %scan3A_471 : i32
    }
    %scan3A_37 = arith.constant 8 : i32
    %dma_start3A_38 = arith.constant 0 : i32
    %dma_start3A_39 = arith.constant 0 : i32
    %dma_start3A_40 = arith.constant 0 : i32
    %dma_start3A_41 = tpu.memref_slice %arg7[%dma_start3A_38, %dma_start3A_39, %dma_start3A_40] : memref<2x1600x16xf32, #tpu.memory_space<vmem>> -> memref<1x1600x16xf32, #tpu.memory_space<vmem>>
    %dma_start3A_42 = tpu.memref_squeeze %dma_start3A_41 : memref<1x1600x16xf32, #tpu.memory_space<vmem>> -> memref<1600x16xf32, #tpu.memory_space<vmem>>
    %dma_start3A_43 = arith.constant 3200 : i32
    %dma_start3A_44 = tpu.memref_slice %arg6[%dma_start3A_43] : memref<25600xi32, #tpu.memory_space<vmem>> -> memref<1600xi32, #tpu.memory_space<vmem>>
    %dma_start3A_45 = arith.constant 0 : i32
    %dma_start3A_46 = arith.constant 0 : i32
    %dma_start3A_47 = tpu.memref_slice %arg3[%dma_start3A_45, %dma_start3A_46] : memref<1007616x16xf32, #tpu.memory_space<hbm>> -> memref<1007616x16xf32, #tpu.memory_space<hbm>>
    tpu.enqueue_indirect_dma source(%dma_start3A_47 : memref<1007616x16xf32, #tpu.memory_space<hbm>>) target(%dma_start3A_42 : memref<1600x16xf32, #tpu.memory_space<vmem>>) offsets(%dma_start3A_44 : memref<1600xi32, #tpu.memory_space<vmem>>) semaphore(%arg10 : memref<!tpu.dma_semaphore, #tpu.memory_space<semaphore_mem>>)
    %dma_wait3A_48 = arith.constant 1 : i32
    %dma_wait3A_49 = arith.constant 0 : i32
    %dma_wait3A_50 = arith.constant 0 : i32
    %dma_wait3A_51 = tpu.memref_slice %arg7[%dma_wait3A_48, %dma_wait3A_49, %dma_wait3A_50] : memref<2x1600x16xf32, #tpu.memory_space<vmem>> -> memref<1x1600x16xf32, #tpu.memory_space<vmem>>
    %dma_wait3A_52 = tpu.memref_squeeze %dma_wait3A_51 : memref<1x1600x16xf32, #tpu.memory_space<vmem>> -> memref<1600x16xf32, #tpu.memory_space<vmem>>
    %dma_wait3A_53 = arith.constant 1600 : i32
    %dma_wait3A_54 = tpu.memref_slice %arg6[%dma_wait3A_53] : memref<25600xi32, #tpu.memory_space<vmem>> -> memref<1600xi32, #tpu.memory_space<vmem>>
    %dma_wait3A_55 = arith.constant 0 : i32
    %dma_wait3A_56 = arith.constant 0 : i32
    %dma_wait3A_57 = tpu.memref_slice %arg3[%dma_wait3A_55, %dma_wait3A_56] : memref<1007616x16xf32, #tpu.memory_space<hbm>> -> memref<1007616x16xf32, #tpu.memory_space<hbm>>
    tpu.wait_indirect_dma semaphore(%arg11 : memref<!tpu.dma_semaphore, #tpu.memory_space<semaphore_mem>>) src(%dma_wait3A_57 : memref<1007616x16xf32, #tpu.memory_space<hbm>>) dst(%dma_wait3A_52 : memref<1600x16xf32, #tpu.memory_space<vmem>>)
    %scan3A_58 = arith.constant 5.000000e-03 : f32
    %scan3A_59 = arith.constant 0 : i32
    %scan3A_60 = arith.constant 0 : i32
    %scan3A_61 = arith.constant 8 : i32
    %scan3A_62 = arith.addi %scan3A_60, %scan3A_61 : i32
    %scan3A_63 = arith.constant 1 : i32
    %scan3A_64 = scf.for %scan3A_450 = %scan3A_60 to %scan3A_62 step %scan3A_63 iter_args(%scan3A_451 = %scan3A_59) -> (i32)  : i32 {
      %broadcast_in_dim3A = arith.constant 0.000000e+00 : f32
      %broadcast_in_dim3A_452 = vector.broadcast %broadcast_in_dim3A : f32 to vector<16xf32>
      %scan3A_453 = arith.constant 0 : i32
      %scan3A_454 = arith.constant 50 : i32
      %scan3A_455 = arith.addi %scan3A_453, %scan3A_454 : i32
      %scan3A_456 = arith.constant 1 : i32
      %scan3A_457:4 = scf.for %scan3A_472 = %scan3A_453 to %scan3A_455 step %scan3A_456 iter_args(%scan3A_473 = %broadcast_in_dim3A_452, %scan3A_474 = %broadcast_in_dim3A_452, %scan3A_475 = %broadcast_in_dim3A_452, %scan3A_476 = %broadcast_in_dim3A_452) -> (vector<16xf32>, vector<16xf32>, vector<16xf32>, vector<16xf32>)  : i32 {
        %mul3A_477 = arith.constant 200 : i32
        %mul3A_478 = arith.muli %scan3A_450, %mul3A_477 : i32
        %mul3A_479 = arith.constant 4 : i32
        %mul3A_480 = arith.muli %mul3A_479, %scan3A_472 : i32
        %add3A_481 = arith.addi %mul3A_478, %mul3A_480 : i32
        %get3A_482 = arith.constant 1 : i32
        %get3A_483 = arith.index_cast %get3A_482 : i32 to index
        %get3A_484 = arith.index_cast %add3A_481 : i32 to index
        %get3A_485 = arith.constant 0 : index
        %get3A_486 = tpu.vector_load %arg7[%get3A_483, %get3A_484, %get3A_485] {strides = array<i32>} : memref<2x1600x16xf32, #tpu.memory_space<vmem>>, vector<1x1x16xf32>,
        %get3A_487 = vector.shape_cast %get3A_486 : vector<1x1x16xf32> to vector<16xf32>
        %add3A_488 = arith.addf %scan3A_473, %get3A_487 : vector<16xf32>
        %add3A_489 = arith.constant 1 : i32
        %add3A_490 = arith.addi %add3A_481, %add3A_489 : i32
        %get3A_491 = arith.constant 1 : i32
        %get3A_492 = arith.index_cast %get3A_491 : i32 to index
        %get3A_493 = arith.index_cast %add3A_490 : i32 to index
        %get3A_494 = arith.constant 0 : index
        %get3A_495 = tpu.vector_load %arg7[%get3A_492, %get3A_493, %get3A_494] {strides = array<i32>} : memref<2x1600x16xf32, #tpu.memory_space<vmem>>, vector<1x1x16xf32>,
        %get3A_496 = vector.shape_cast %get3A_495 : vector<1x1x16xf32> to vector<16xf32>
        %add3A_497 = arith.addf %scan3A_474, %get3A_496 : vector<16xf32>
        %add3A_498 = arith.constant 2 : i32
        %add3A_499 = arith.addi %add3A_481, %add3A_498 : i32
        %get3A_500 = arith.constant 1 : i32
        %get3A_501 = arith.index_cast %get3A_500 : i32 to index
        %get3A_502 = arith.index_cast %add3A_499 : i32 to index
        %get3A_503 = arith.constant 0 : index
        %get3A_504 = tpu.vector_load %arg7[%get3A_501, %get3A_502, %get3A_503] {strides = array<i32>} : memref<2x1600x16xf32, #tpu.memory_space<vmem>>, vector<1x1x16xf32>,
        %get3A_505 = vector.shape_cast %get3A_504 : vector<1x1x16xf32> to vector<16xf32>
        %add3A_506 = arith.addf %scan3A_475, %get3A_505 : vector<16xf32>
        %add3A_507 = arith.constant 3 : i32
        %add3A_508 = arith.addi %add3A_481, %add3A_507 : i32
        %get3A_509 = arith.constant 1 : i32
        %get3A_510 = arith.index_cast %get3A_509 : i32 to index
        %get3A_511 = arith.index_cast %add3A_508 : i32 to index
        %get3A_512 = arith.constant 0 : index
        %get3A_513 = tpu.vector_load %arg7[%get3A_510, %get3A_511, %get3A_512] {strides = array<i32>} : memref<2x1600x16xf32, #tpu.memory_space<vmem>>, vector<1x1x16xf32>,
        %get3A_514 = vector.shape_cast %get3A_513 : vector<1x1x16xf32> to vector<16xf32>
        %add3A_515 = arith.addf %scan3A_476, %get3A_514 : vector<16xf32>
        scf.yield %add3A_488, %add3A_497, %add3A_506, %add3A_515 : vector<16xf32>, vector<16xf32>, vector<16xf32>, vector<16xf32>
      }
      %scan3A_458 = arith.constant 50 : i32
      %add3A_459 = arith.addf %scan3A_457#0, %scan3A_457#1 : vector<16xf32>
      %add3A_460 = arith.addf %scan3A_457#2, %scan3A_457#3 : vector<16xf32>
      %add3A_461 = arith.addf %add3A_459, %add3A_460 : vector<16xf32>
      %mul3A_462 = vector.broadcast %scan3A_58 : f32 to vector<16xf32>
      %mul3A_463 = arith.mulf %add3A_461, %mul3A_462 : vector<16xf32>
      %add3A_464 = arith.addf %mul3A_463, %get3A_2 : vector<16xf32>
      %add3A_465 = arith.constant 8 : i32
      %add3A_466 = arith.addi %add3A_465, %scan3A_450 : i32
      %swap3A = arith.index_cast %add3A_466 : i32 to index
      %swap3A_467 = arith.constant 0 : index
      %swap3A_468 = tpu.vector_load %arg8[%swap3A, %swap3A_467] {strides = array<i32>} : memref<128x16xf32, #tpu.memory_space<vmem>>, vector<1x16xf32>,
      %swap3A_469 = vector.shape_cast %swap3A_468 : vector<1x16xf32> to vector<16xf32>
      %swap3A_470 = vector.shape_cast %add3A_464 : vector<16xf32> to vector<1x16xf32>
      tpu.vector_store %arg8[%swap3A, %swap3A_467], %swap3A_470 {strides = array<i32>} : memref<128x16xf32, #tpu.memory_space<vmem>>, vector<1x16xf32>,
      %scan3A_471 = arith.constant 0 : i32
      scf.yield %scan3A_471 : i32
    }
    %scan3A_65 = arith.constant 8 : i32
    %dma_start3A_66 = arith.constant 1 : i32
    %dma_start3A_67 = arith.constant 0 : i32
    %dma_start3A_68 = arith.constant 0 : i32
    %dma_start3A_69 = tpu.memref_slice %arg7[%dma_start3A_66, %dma_start3A_67, %dma_start3A_68] : memref<2x1600x16xf32, #tpu.memory_space<vmem>> -> memref<1x1600x16xf32, #tpu.memory_space<vmem>>
    %dma_start3A_70 = tpu.memref_squeeze %dma_start3A_69 : memref<1x1600x16xf32, #tpu.memory_space<vmem>> -> memref<1600x16xf32, #tpu.memory_space<vmem>>
    %dma_start3A_71 = arith.constant 4800 : i32
    %dma_start3A_72 = tpu.memref_slice %arg6[%dma_start3A_71] : memref<25600xi32, #tpu.memory_space<vmem>> -> memref<1600xi32, #tpu.memory_space<vmem>>
    %dma_start3A_73 = arith.constant 0 : i32
    %dma_start3A_74 = arith.constant 0 : i32
    %dma_start3A_75 = tpu.memref_slice %arg3[%dma_start3A_73, %dma_start3A_74] : memref<1007616x16xf32, #tpu.memory_space<hbm>> -> memref<1007616x16xf32, #tpu.memory_space<hbm>>
    tpu.enqueue_indirect_dma source(%dma_start3A_75 : memref<1007616x16xf32, #tpu.memory_space<hbm>>) target(%dma_start3A_70 : memref<1600x16xf32, #tpu.memory_space<vmem>>) offsets(%dma_start3A_72 : memref<1600xi32, #tpu.memory_space<vmem>>) semaphore(%arg11 : memref<!tpu.dma_semaphore, #tpu.memory_space<semaphore_mem>>)
    %dma_wait3A_76 = arith.constant 0 : i32
    %dma_wait3A_77 = arith.constant 0 : i32
    %dma_wait3A_78 = arith.constant 0 : i32
    %dma_wait3A_79 = tpu.memref_slice %arg7[%dma_wait3A_76, %dma_wait3A_77, %dma_wait3A_78] : memref<2x1600x16xf32, #tpu.memory_space<vmem>> -> memref<1x1600x16xf32, #tpu.memory_space<vmem>>
    %dma_wait3A_80 = tpu.memref_squeeze %dma_wait3A_79 : memref<1x1600x16xf32, #tpu.memory_space<vmem>> -> memref<1600x16xf32, #tpu.memory_space<vmem>>
    %dma_wait3A_81 = arith.constant 3200 : i32
    %dma_wait3A_82 = tpu.memref_slice %arg6[%dma_wait3A_81] : memref<25600xi32, #tpu.memory_space<vmem>> -> memref<1600xi32, #tpu.memory_space<vmem>>
    %dma_wait3A_83 = arith.constant 0 : i32
    %dma_wait3A_84 = arith.constant 0 : i32
    %dma_wait3A_85 = tpu.memref_slice %arg3[%dma_wait3A_83, %dma_wait3A_84] : memref<1007616x16xf32, #tpu.memory_space<hbm>> -> memref<1007616x16xf32, #tpu.memory_space<hbm>>
    tpu.wait_indirect_dma semaphore(%arg10 : memref<!tpu.dma_semaphore, #tpu.memory_space<semaphore_mem>>) src(%dma_wait3A_85 : memref<1007616x16xf32, #tpu.memory_space<hbm>>) dst(%dma_wait3A_80 : memref<1600x16xf32, #tpu.memory_space<vmem>>)
    %scan3A_86 = arith.constant 5.000000e-03 : f32
    %scan3A_87 = arith.constant 0 : i32
    %scan3A_88 = arith.constant 0 : i32
    %scan3A_89 = arith.constant 8 : i32
    %scan3A_90 = arith.addi %scan3A_88, %scan3A_89 : i32
    %scan3A_91 = arith.constant 1 : i32
    %scan3A_92 = scf.for %scan3A_450 = %scan3A_88 to %scan3A_90 step %scan3A_91 iter_args(%scan3A_451 = %scan3A_87) -> (i32)  : i32 {
      %broadcast_in_dim3A = arith.constant 0.000000e+00 : f32
      %broadcast_in_dim3A_452 = vector.broadcast %broadcast_in_dim3A : f32 to vector<16xf32>
      %scan3A_453 = arith.constant 0 : i32
      %scan3A_454 = arith.constant 50 : i32
      %scan3A_455 = arith.addi %scan3A_453, %scan3A_454 : i32
      %scan3A_456 = arith.constant 1 : i32
      %scan3A_457:4 = scf.for %scan3A_472 = %scan3A_453 to %scan3A_455 step %scan3A_456 iter_args(%scan3A_473 = %broadcast_in_dim3A_452, %scan3A_474 = %broadcast_in_dim3A_452, %scan3A_475 = %broadcast_in_dim3A_452, %scan3A_476 = %broadcast_in_dim3A_452) -> (vector<16xf32>, vector<16xf32>, vector<16xf32>, vector<16xf32>)  : i32 {
        %mul3A_477 = arith.constant 200 : i32
        %mul3A_478 = arith.muli %scan3A_450, %mul3A_477 : i32
        %mul3A_479 = arith.constant 4 : i32
        %mul3A_480 = arith.muli %mul3A_479, %scan3A_472 : i32
        %add3A_481 = arith.addi %mul3A_478, %mul3A_480 : i32
        %get3A_482 = arith.constant 0 : i32
        %get3A_483 = arith.index_cast %get3A_482 : i32 to index
        %get3A_484 = arith.index_cast %add3A_481 : i32 to index
        %get3A_485 = arith.constant 0 : index
        %get3A_486 = tpu.vector_load %arg7[%get3A_483, %get3A_484, %get3A_485] {strides = array<i32>} : memref<2x1600x16xf32, #tpu.memory_space<vmem>>, vector<1x1x16xf32>,
        %get3A_487 = vector.shape_cast %get3A_486 : vector<1x1x16xf32> to vector<16xf32>
        %add3A_488 = arith.addf %scan3A_473, %get3A_487 : vector<16xf32>
        %add3A_489 = arith.constant 1 : i32
        %add3A_490 = arith.addi %add3A_481, %add3A_489 : i32
        %get3A_491 = arith.constant 0 : i32
        %get3A_492 = arith.index_cast %get3A_491 : i32 to index
        %get3A_493 = arith.index_cast %add3A_490 : i32 to index
        %get3A_494 = arith.constant 0 : index
        %get3A_495 = tpu.vector_load %arg7[%get3A_492, %get3A_493, %get3A_494] {strides = array<i32>} : memref<2x1600x16xf32, #tpu.memory_space<vmem>>, vector<1x1x16xf32>,
        %get3A_496 = vector.shape_cast %get3A_495 : vector<1x1x16xf32> to vector<16xf32>
        %add3A_497 = arith.addf %scan3A_474, %get3A_496 : vector<16xf32>
        %add3A_498 = arith.constant 2 : i32
        %add3A_499 = arith.addi %add3A_481, %add3A_498 : i32
        %get3A_500 = arith.constant 0 : i32
        %get3A_501 = arith.index_cast %get3A_500 : i32 to index
        %get3A_502 = arith.index_cast %add3A_499 : i32 to index
        %get3A_503 = arith.constant 0 : index
        %get3A_504 = tpu.vector_load %arg7[%get3A_501, %get3A_502, %get3A_503] {strides = array<i32>} : memref<2x1600x16xf32, #tpu.memory_space<vmem>>, vector<1x1x16xf32>,
        %get3A_505 = vector.shape_cast %get3A_504 : vector<1x1x16xf32> to vector<16xf32>
        %add3A_506 = arith.addf %scan3A_475, %get3A_505 : vector<16xf32>
        %add3A_507 = arith.constant 3 : i32
        %add3A_508 = arith.addi %add3A_481, %add3A_507 : i32
        %get3A_509 = arith.constant 0 : i32
        %get3A_510 = arith.index_cast %get3A_509 : i32 to index
        %get3A_511 = arith.index_cast %add3A_508 : i32 to index
        %get3A_512 = arith.constant 0 : index
        %get3A_513 = tpu.vector_load %arg7[%get3A_510, %get3A_511, %get3A_512] {strides = array<i32>} : memref<2x1600x16xf32, #tpu.memory_space<vmem>>, vector<1x1x16xf32>,
        %get3A_514 = vector.shape_cast %get3A_513 : vector<1x1x16xf32> to vector<16xf32>
        %add3A_515 = arith.addf %scan3A_476, %get3A_514 : vector<16xf32>
        scf.yield %add3A_488, %add3A_497, %add3A_506, %add3A_515 : vector<16xf32>, vector<16xf32>, vector<16xf32>, vector<16xf32>
      }
      %scan3A_458 = arith.constant 50 : i32
      %add3A_459 = arith.addf %scan3A_457#0, %scan3A_457#1 : vector<16xf32>
      %add3A_460 = arith.addf %scan3A_457#2, %scan3A_457#3 : vector<16xf32>
      %add3A_461 = arith.addf %add3A_459, %add3A_460 : vector<16xf32>
      %mul3A_462 = vector.broadcast %scan3A_86 : f32 to vector<16xf32>
      %mul3A_463 = arith.mulf %add3A_461, %mul3A_462 : vector<16xf32>
      %add3A_464 = arith.addf %mul3A_463, %get3A_2 : vector<16xf32>
      %add3A_465 = arith.constant 16 : i32
      %add3A_466 = arith.addi %add3A_465, %scan3A_450 : i32
      %swap3A = arith.index_cast %add3A_466 : i32 to index
      %swap3A_467 = arith.constant 0 : index
      %swap3A_468 = tpu.vector_load %arg8[%swap3A, %swap3A_467] {strides = array<i32>} : memref<128x16xf32, #tpu.memory_space<vmem>>, vector<1x16xf32>,
      %swap3A_469 = vector.shape_cast %swap3A_468 : vector<1x16xf32> to vector<16xf32>
      %swap3A_470 = vector.shape_cast %add3A_464 : vector<16xf32> to vector<1x16xf32>
      tpu.vector_store %arg8[%swap3A, %swap3A_467], %swap3A_470 {strides = array<i32>} : memref<128x16xf32, #tpu.memory_space<vmem>>, vector<1x16xf32>,
      %scan3A_471 = arith.constant 0 : i32
      scf.yield %scan3A_471 : i32
    }
    %scan3A_93 = arith.constant 8 : i32
    %dma_start3A_94 = arith.constant 0 : i32
    %dma_start3A_95 = arith.constant 0 : i32
    %dma_start3A_96 = arith.constant 0 : i32
    %dma_start3A_97 = tpu.memref_slice %arg7[%dma_start3A_94, %dma_start3A_95, %dma_start3A_96] : memref<2x1600x16xf32, #tpu.memory_space<vmem>> -> memref<1x1600x16xf32, #tpu.memory_space<vmem>>
    %dma_start3A_98 = tpu.memref_squeeze %dma_start3A_97 : memref<1x1600x16xf32, #tpu.memory_space<vmem>> -> memref<1600x16xf32, #tpu.memory_space<vmem>>
    %dma_start3A_99 = arith.constant 6400 : i32
    %dma_start3A_100 = tpu.memref_slice %arg6[%dma_start3A_99] : memref<25600xi32, #tpu.memory_space<vmem>> -> memref<1600xi32, #tpu.memory_space<vmem>>
    %dma_start3A_101 = arith.constant 0 : i32
    %dma_start3A_102 = arith.constant 0 : i32
    %dma_start3A_103 = tpu.memref_slice %arg3[%dma_start3A_101, %dma_start3A_102] : memref<1007616x16xf32, #tpu.memory_space<hbm>> -> memref<1007616x16xf32, #tpu.memory_space<hbm>>
    tpu.enqueue_indirect_dma source(%dma_start3A_103 : memref<1007616x16xf32, #tpu.memory_space<hbm>>) target(%dma_start3A_98 : memref<1600x16xf32, #tpu.memory_space<vmem>>) offsets(%dma_start3A_100 : memref<1600xi32, #tpu.memory_space<vmem>>) semaphore(%arg10 : memref<!tpu.dma_semaphore, #tpu.memory_space<semaphore_mem>>)
    %dma_wait3A_104 = arith.constant 1 : i32
    %dma_wait3A_105 = arith.constant 0 : i32
    %dma_wait3A_106 = arith.constant 0 : i32
    %dma_wait3A_107 = tpu.memref_slice %arg7[%dma_wait3A_104, %dma_wait3A_105, %dma_wait3A_106] : memref<2x1600x16xf32, #tpu.memory_space<vmem>> -> memref<1x1600x16xf32, #tpu.memory_space<vmem>>
    %dma_wait3A_108 = tpu.memref_squeeze %dma_wait3A_107 : memref<1x1600x16xf32, #tpu.memory_space<vmem>> -> memref<1600x16xf32, #tpu.memory_space<vmem>>
    %dma_wait3A_109 = arith.constant 4800 : i32
    %dma_wait3A_110 = tpu.memref_slice %arg6[%dma_wait3A_109] : memref<25600xi32, #tpu.memory_space<vmem>> -> memref<1600xi32, #tpu.memory_space<vmem>>
    %dma_wait3A_111 = arith.constant 0 : i32
    %dma_wait3A_112 = arith.constant 0 : i32
    %dma_wait3A_113 = tpu.memref_slice %arg3[%dma_wait3A_111, %dma_wait3A_112] : memref<1007616x16xf32, #tpu.memory_space<hbm>> -> memref<1007616x16xf32, #tpu.memory_space<hbm>>
    tpu.wait_indirect_dma semaphore(%arg11 : memref<!tpu.dma_semaphore, #tpu.memory_space<semaphore_mem>>) src(%dma_wait3A_113 : memref<1007616x16xf32, #tpu.memory_space<hbm>>) dst(%dma_wait3A_108 : memref<1600x16xf32, #tpu.memory_space<vmem>>)
    %scan3A_114 = arith.constant 5.000000e-03 : f32
    %scan3A_115 = arith.constant 0 : i32
    %scan3A_116 = arith.constant 0 : i32
    %scan3A_117 = arith.constant 8 : i32
    %scan3A_118 = arith.addi %scan3A_116, %scan3A_117 : i32
    %scan3A_119 = arith.constant 1 : i32
    %scan3A_120 = scf.for %scan3A_450 = %scan3A_116 to %scan3A_118 step %scan3A_119 iter_args(%scan3A_451 = %scan3A_115) -> (i32)  : i32 {
      %broadcast_in_dim3A = arith.constant 0.000000e+00 : f32
      %broadcast_in_dim3A_452 = vector.broadcast %broadcast_in_dim3A : f32 to vector<16xf32>
      %scan3A_453 = arith.constant 0 : i32
      %scan3A_454 = arith.constant 50 : i32
      %scan3A_455 = arith.addi %scan3A_453, %scan3A_454 : i32
      %scan3A_456 = arith.constant 1 : i32
      %scan3A_457:4 = scf.for %scan3A_472 = %scan3A_453 to %scan3A_455 step %scan3A_456 iter_args(%scan3A_473 = %broadcast_in_dim3A_452, %scan3A_474 = %broadcast_in_dim3A_452, %scan3A_475 = %broadcast_in_dim3A_452, %scan3A_476 = %broadcast_in_dim3A_452) -> (vector<16xf32>, vector<16xf32>, vector<16xf32>, vector<16xf32>)  : i32 {
        %mul3A_477 = arith.constant 200 : i32
        %mul3A_478 = arith.muli %scan3A_450, %mul3A_477 : i32
        %mul3A_479 = arith.constant 4 : i32
        %mul3A_480 = arith.muli %mul3A_479, %scan3A_472 : i32
        %add3A_481 = arith.addi %mul3A_478, %mul3A_480 : i32
        %get3A_482 = arith.constant 1 : i32
        %get3A_483 = arith.index_cast %get3A_482 : i32 to index
        %get3A_484 = arith.index_cast %add3A_481 : i32 to index
        %get3A_485 = arith.constant 0 : index
        %get3A_486 = tpu.vector_load %arg7[%get3A_483, %get3A_484, %get3A_485] {strides = array<i32>} : memref<2x1600x16xf32, #tpu.memory_space<vmem>>, vector<1x1x16xf32>,
        %get3A_487 = vector.shape_cast %get3A_486 : vector<1x1x16xf32> to vector<16xf32>
        %add3A_488 = arith.addf %scan3A_473, %get3A_487 : vector<16xf32>
        %add3A_489 = arith.constant 1 : i32
        %add3A_490 = arith.addi %add3A_481, %add3A_489 : i32
        %get3A_491 = arith.constant 1 : i32
        %get3A_492 = arith.index_cast %get3A_491 : i32 to index
        %get3A_493 = arith.index_cast %add3A_490 : i32 to index
        %get3A_494 = arith.constant 0 : index
        %get3A_495 = tpu.vector_load %arg7[%get3A_492, %get3A_493, %get3A_494] {strides = array<i32>} : memref<2x1600x16xf32, #tpu.memory_space<vmem>>, vector<1x1x16xf32>,
        %get3A_496 = vector.shape_cast %get3A_495 : vector<1x1x16xf32> to vector<16xf32>
        %add3A_497 = arith.addf %scan3A_474, %get3A_496 : vector<16xf32>
        %add3A_498 = arith.constant 2 : i32
        %add3A_499 = arith.addi %add3A_481, %add3A_498 : i32
        %get3A_500 = arith.constant 1 : i32
        %get3A_501 = arith.index_cast %get3A_500 : i32 to index
        %get3A_502 = arith.index_cast %add3A_499 : i32 to index
        %get3A_503 = arith.constant 0 : index
        %get3A_504 = tpu.vector_load %arg7[%get3A_501, %get3A_502, %get3A_503] {strides = array<i32>} : memref<2x1600x16xf32, #tpu.memory_space<vmem>>, vector<1x1x16xf32>,
        %get3A_505 = vector.shape_cast %get3A_504 : vector<1x1x16xf32> to vector<16xf32>
        %add3A_506 = arith.addf %scan3A_475, %get3A_505 : vector<16xf32>
        %add3A_507 = arith.constant 3 : i32
        %add3A_508 = arith.addi %add3A_481, %add3A_507 : i32
        %get3A_509 = arith.constant 1 : i32
        %get3A_510 = arith.index_cast %get3A_509 : i32 to index
        %get3A_511 = arith.index_cast %add3A_508 : i32 to index
        %get3A_512 = arith.constant 0 : index
        %get3A_513 = tpu.vector_load %arg7[%get3A_510, %get3A_511, %get3A_512] {strides = array<i32>} : memref<2x1600x16xf32, #tpu.memory_space<vmem>>, vector<1x1x16xf32>,
        %get3A_514 = vector.shape_cast %get3A_513 : vector<1x1x16xf32> to vector<16xf32>
        %add3A_515 = arith.addf %scan3A_476, %get3A_514 : vector<16xf32>
        scf.yield %add3A_488, %add3A_497, %add3A_506, %add3A_515 : vector<16xf32>, vector<16xf32>, vector<16xf32>, vector<16xf32>
      }
      %scan3A_458 = arith.constant 50 : i32
      %add3A_459 = arith.addf %scan3A_457#0, %scan3A_457#1 : vector<16xf32>
      %add3A_460 = arith.addf %scan3A_457#2, %scan3A_457#3 : vector<16xf32>
      %add3A_461 = arith.addf %add3A_459, %add3A_460 : vector<16xf32>
      %mul3A_462 = vector.broadcast %scan3A_114 : f32 to vector<16xf32>
      %mul3A_463 = arith.mulf %add3A_461, %mul3A_462 : vector<16xf32>
      %add3A_464 = arith.addf %mul3A_463, %get3A_2 : vector<16xf32>
      %add3A_465 = arith.constant 24 : i32
      %add3A_466 = arith.addi %add3A_465, %scan3A_450 : i32
      %swap3A = arith.index_cast %add3A_466 : i32 to index
      %swap3A_467 = arith.constant 0 : index
      %swap3A_468 = tpu.vector_load %arg8[%swap3A, %swap3A_467] {strides = array<i32>} : memref<128x16xf32, #tpu.memory_space<vmem>>, vector<1x16xf32>,
      %swap3A_469 = vector.shape_cast %swap3A_468 : vector<1x16xf32> to vector<16xf32>
      %swap3A_470 = vector.shape_cast %add3A_464 : vector<16xf32> to vector<1x16xf32>
      tpu.vector_store %arg8[%swap3A, %swap3A_467], %swap3A_470 {strides = array<i32>} : memref<128x16xf32, #tpu.memory_space<vmem>>, vector<1x16xf32>,
      %scan3A_471 = arith.constant 0 : i32
      scf.yield %scan3A_471 : i32
    }
    %scan3A_121 = arith.constant 8 : i32
    %dma_start3A_122 = arith.constant 1 : i32
    %dma_start3A_123 = arith.constant 0 : i32
    %dma_start3A_124 = arith.constant 0 : i32
    %dma_start3A_125 = tpu.memref_slice %arg7[%dma_start3A_122, %dma_start3A_123, %dma_start3A_124] : memref<2x1600x16xf32, #tpu.memory_space<vmem>> -> memref<1x1600x16xf32, #tpu.memory_space<vmem>>
    %dma_start3A_126 = tpu.memref_squeeze %dma_start3A_125 : memref<1x1600x16xf32, #tpu.memory_space<vmem>> -> memref<1600x16xf32, #tpu.memory_space<vmem>>
    %dma_start3A_127 = arith.constant 8000 : i32
    %dma_start3A_128 = tpu.memref_slice %arg6[%dma_start3A_127] : memref<25600xi32, #tpu.memory_space<vmem>> -> memref<1600xi32, #tpu.memory_space<vmem>>
    %dma_start3A_129 = arith.constant 0 : i32
    %dma_start3A_130 = arith.constant 0 : i32
    %dma_start3A_131 = tpu.memref_slice %arg3[%dma_start3A_129, %dma_start3A_130] : memref<1007616x16xf32, #tpu.memory_space<hbm>> -> memref<1007616x16xf32, #tpu.memory_space<hbm>>
    tpu.enqueue_indirect_dma source(%dma_start3A_131 : memref<1007616x16xf32, #tpu.memory_space<hbm>>) target(%dma_start3A_126 : memref<1600x16xf32, #tpu.memory_space<vmem>>) offsets(%dma_start3A_128 : memref<1600xi32, #tpu.memory_space<vmem>>) semaphore(%arg11 : memref<!tpu.dma_semaphore, #tpu.memory_space<semaphore_mem>>)
    %dma_wait3A_132 = arith.constant 0 : i32
    %dma_wait3A_133 = arith.constant 0 : i32
    %dma_wait3A_134 = arith.constant 0 : i32
    %dma_wait3A_135 = tpu.memref_slice %arg7[%dma_wait3A_132, %dma_wait3A_133, %dma_wait3A_134] : memref<2x1600x16xf32, #tpu.memory_space<vmem>> -> memref<1x1600x16xf32, #tpu.memory_space<vmem>>
    %dma_wait3A_136 = tpu.memref_squeeze %dma_wait3A_135 : memref<1x1600x16xf32, #tpu.memory_space<vmem>> -> memref<1600x16xf32, #tpu.memory_space<vmem>>
    %dma_wait3A_137 = arith.constant 6400 : i32
    %dma_wait3A_138 = tpu.memref_slice %arg6[%dma_wait3A_137] : memref<25600xi32, #tpu.memory_space<vmem>> -> memref<1600xi32, #tpu.memory_space<vmem>>
    %dma_wait3A_139 = arith.constant 0 : i32
    %dma_wait3A_140 = arith.constant 0 : i32
    %dma_wait3A_141 = tpu.memref_slice %arg3[%dma_wait3A_139, %dma_wait3A_140] : memref<1007616x16xf32, #tpu.memory_space<hbm>> -> memref<1007616x16xf32, #tpu.memory_space<hbm>>
    tpu.wait_indirect_dma semaphore(%arg10 : memref<!tpu.dma_semaphore, #tpu.memory_space<semaphore_mem>>) src(%dma_wait3A_141 : memref<1007616x16xf32, #tpu.memory_space<hbm>>) dst(%dma_wait3A_136 : memref<1600x16xf32, #tpu.memory_space<vmem>>)
    %scan3A_142 = arith.constant 5.000000e-03 : f32
    %scan3A_143 = arith.constant 0 : i32
    %scan3A_144 = arith.constant 0 : i32
    %scan3A_145 = arith.constant 8 : i32
    %scan3A_146 = arith.addi %scan3A_144, %scan3A_145 : i32
    %scan3A_147 = arith.constant 1 : i32
    %scan3A_148 = scf.for %scan3A_450 = %scan3A_144 to %scan3A_146 step %scan3A_147 iter_args(%scan3A_451 = %scan3A_143) -> (i32)  : i32 {
      %broadcast_in_dim3A = arith.constant 0.000000e+00 : f32
      %broadcast_in_dim3A_452 = vector.broadcast %broadcast_in_dim3A : f32 to vector<16xf32>
      %scan3A_453 = arith.constant 0 : i32
      %scan3A_454 = arith.constant 50 : i32
      %scan3A_455 = arith.addi %scan3A_453, %scan3A_454 : i32
      %scan3A_456 = arith.constant 1 : i32
      %scan3A_457:4 = scf.for %scan3A_472 = %scan3A_453 to %scan3A_455 step %scan3A_456 iter_args(%scan3A_473 = %broadcast_in_dim3A_452, %scan3A_474 = %broadcast_in_dim3A_452, %scan3A_475 = %broadcast_in_dim3A_452, %scan3A_476 = %broadcast_in_dim3A_452) -> (vector<16xf32>, vector<16xf32>, vector<16xf32>, vector<16xf32>)  : i32 {
        %mul3A_477 = arith.constant 200 : i32
        %mul3A_478 = arith.muli %scan3A_450, %mul3A_477 : i32
        %mul3A_479 = arith.constant 4 : i32
        %mul3A_480 = arith.muli %mul3A_479, %scan3A_472 : i32
        %add3A_481 = arith.addi %mul3A_478, %mul3A_480 : i32
        %get3A_482 = arith.constant 0 : i32
        %get3A_483 = arith.index_cast %get3A_482 : i32 to index
        %get3A_484 = arith.index_cast %add3A_481 : i32 to index
        %get3A_485 = arith.constant 0 : index
        %get3A_486 = tpu.vector_load %arg7[%get3A_483, %get3A_484, %get3A_485] {strides = array<i32>} : memref<2x1600x16xf32, #tpu.memory_space<vmem>>, vector<1x1x16xf32>,
        %get3A_487 = vector.shape_cast %get3A_486 : vector<1x1x16xf32> to vector<16xf32>
        %add3A_488 = arith.addf %scan3A_473, %get3A_487 : vector<16xf32>
        %add3A_489 = arith.constant 1 : i32
        %add3A_490 = arith.addi %add3A_481, %add3A_489 : i32
        %get3A_491 = arith.constant 0 : i32
        %get3A_492 = arith.index_cast %get3A_491 : i32 to index
        %get3A_493 = arith.index_cast %add3A_490 : i32 to index
        %get3A_494 = arith.constant 0 : index
        %get3A_495 = tpu.vector_load %arg7[%get3A_492, %get3A_493, %get3A_494] {strides = array<i32>} : memref<2x1600x16xf32, #tpu.memory_space<vmem>>, vector<1x1x16xf32>,
        %get3A_496 = vector.shape_cast %get3A_495 : vector<1x1x16xf32> to vector<16xf32>
        %add3A_497 = arith.addf %scan3A_474, %get3A_496 : vector<16xf32>
        %add3A_498 = arith.constant 2 : i32
        %add3A_499 = arith.addi %add3A_481, %add3A_498 : i32
        %get3A_500 = arith.constant 0 : i32
        %get3A_501 = arith.index_cast %get3A_500 : i32 to index
        %get3A_502 = arith.index_cast %add3A_499 : i32 to index
        %get3A_503 = arith.constant 0 : index
        %get3A_504 = tpu.vector_load %arg7[%get3A_501, %get3A_502, %get3A_503] {strides = array<i32>} : memref<2x1600x16xf32, #tpu.memory_space<vmem>>, vector<1x1x16xf32>,
        %get3A_505 = vector.shape_cast %get3A_504 : vector<1x1x16xf32> to vector<16xf32>
        %add3A_506 = arith.addf %scan3A_475, %get3A_505 : vector<16xf32>
        %add3A_507 = arith.constant 3 : i32
        %add3A_508 = arith.addi %add3A_481, %add3A_507 : i32
        %get3A_509 = arith.constant 0 : i32
        %get3A_510 = arith.index_cast %get3A_509 : i32 to index
        %get3A_511 = arith.index_cast %add3A_508 : i32 to index
        %get3A_512 = arith.constant 0 : index
        %get3A_513 = tpu.vector_load %arg7[%get3A_510, %get3A_511, %get3A_512] {strides = array<i32>} : memref<2x1600x16xf32, #tpu.memory_space<vmem>>, vector<1x1x16xf32>,
        %get3A_514 = vector.shape_cast %get3A_513 : vector<1x1x16xf32> to vector<16xf32>
        %add3A_515 = arith.addf %scan3A_476, %get3A_514 : vector<16xf32>
        scf.yield %add3A_488, %add3A_497, %add3A_506, %add3A_515 : vector<16xf32>, vector<16xf32>, vector<16xf32>, vector<16xf32>
      }
      %scan3A_458 = arith.constant 50 : i32
      %add3A_459 = arith.addf %scan3A_457#0, %scan3A_457#1 : vector<16xf32>
      %add3A_460 = arith.addf %scan3A_457#2, %scan3A_457#3 : vector<16xf32>
      %add3A_461 = arith.addf %add3A_459, %add3A_460 : vector<16xf32>
      %mul3A_462 = vector.broadcast %scan3A_142 : f32 to vector<16xf32>
      %mul3A_463 = arith.mulf %add3A_461, %mul3A_462 : vector<16xf32>
      %add3A_464 = arith.addf %mul3A_463, %get3A_2 : vector<16xf32>
      %add3A_465 = arith.constant 32 : i32
      %add3A_466 = arith.addi %add3A_465, %scan3A_450 : i32
      %swap3A = arith.index_cast %add3A_466 : i32 to index
      %swap3A_467 = arith.constant 0 : index
      %swap3A_468 = tpu.vector_load %arg8[%swap3A, %swap3A_467] {strides = array<i32>} : memref<128x16xf32, #tpu.memory_space<vmem>>, vector<1x16xf32>,
      %swap3A_469 = vector.shape_cast %swap3A_468 : vector<1x16xf32> to vector<16xf32>
      %swap3A_470 = vector.shape_cast %add3A_464 : vector<16xf32> to vector<1x16xf32>
      tpu.vector_store %arg8[%swap3A, %swap3A_467], %swap3A_470 {strides = array<i32>} : memref<128x16xf32, #tpu.memory_space<vmem>>, vector<1x16xf32>,
      %scan3A_471 = arith.constant 0 : i32
      scf.yield %scan3A_471 : i32
    }
    %scan3A_149 = arith.constant 8 : i32
    %dma_start3A_150 = arith.constant 0 : i32
    %dma_start3A_151 = arith.constant 0 : i32
    %dma_start3A_152 = arith.constant 0 : i32
    %dma_start3A_153 = tpu.memref_slice %arg7[%dma_start3A_150, %dma_start3A_151, %dma_start3A_152] : memref<2x1600x16xf32, #tpu.memory_space<vmem>> -> memref<1x1600x16xf32, #tpu.memory_space<vmem>>
    %dma_start3A_154 = tpu.memref_squeeze %dma_start3A_153 : memref<1x1600x16xf32, #tpu.memory_space<vmem>> -> memref<1600x16xf32, #tpu.memory_space<vmem>>
    %dma_start3A_155 = arith.constant 9600 : i32
    %dma_start3A_156 = tpu.memref_slice %arg6[%dma_start3A_155] : memref<25600xi32, #tpu.memory_space<vmem>> -> memref<1600xi32, #tpu.memory_space<vmem>>
    %dma_start3A_157 = arith.constant 0 : i32
    %dma_start3A_158 = arith.constant 0 : i32
    %dma_start3A_159 = tpu.memref_slice %arg3[%dma_start3A_157, %dma_start3A_158] : memref<1007616x16xf32, #tpu.memory_space<hbm>> -> memref<1007616x16xf32, #tpu.memory_space<hbm>>
    tpu.enqueue_indirect_dma source(%dma_start3A_159 : memref<1007616x16xf32, #tpu.memory_space<hbm>>) target(%dma_start3A_154 : memref<1600x16xf32, #tpu.memory_space<vmem>>) offsets(%dma_start3A_156 : memref<1600xi32, #tpu.memory_space<vmem>>) semaphore(%arg10 : memref<!tpu.dma_semaphore, #tpu.memory_space<semaphore_mem>>)
    %dma_wait3A_160 = arith.constant 1 : i32
    %dma_wait3A_161 = arith.constant 0 : i32
    %dma_wait3A_162 = arith.constant 0 : i32
    %dma_wait3A_163 = tpu.memref_slice %arg7[%dma_wait3A_160, %dma_wait3A_161, %dma_wait3A_162] : memref<2x1600x16xf32, #tpu.memory_space<vmem>> -> memref<1x1600x16xf32, #tpu.memory_space<vmem>>
    %dma_wait3A_164 = tpu.memref_squeeze %dma_wait3A_163 : memref<1x1600x16xf32, #tpu.memory_space<vmem>> -> memref<1600x16xf32, #tpu.memory_space<vmem>>
    %dma_wait3A_165 = arith.constant 8000 : i32
    %dma_wait3A_166 = tpu.memref_slice %arg6[%dma_wait3A_165] : memref<25600xi32, #tpu.memory_space<vmem>> -> memref<1600xi32, #tpu.memory_space<vmem>>
    %dma_wait3A_167 = arith.constant 0 : i32
    %dma_wait3A_168 = arith.constant 0 : i32
    %dma_wait3A_169 = tpu.memref_slice %arg3[%dma_wait3A_167, %dma_wait3A_168] : memref<1007616x16xf32, #tpu.memory_space<hbm>> -> memref<1007616x16xf32, #tpu.memory_space<hbm>>
    tpu.wait_indirect_dma semaphore(%arg11 : memref<!tpu.dma_semaphore, #tpu.memory_space<semaphore_mem>>) src(%dma_wait3A_169 : memref<1007616x16xf32, #tpu.memory_space<hbm>>) dst(%dma_wait3A_164 : memref<1600x16xf32, #tpu.memory_space<vmem>>)
    %scan3A_170 = arith.constant 5.000000e-03 : f32
    %scan3A_171 = arith.constant 0 : i32
    %scan3A_172 = arith.constant 0 : i32
    %scan3A_173 = arith.constant 8 : i32
    %scan3A_174 = arith.addi %scan3A_172, %scan3A_173 : i32
    %scan3A_175 = arith.constant 1 : i32
    %scan3A_176 = scf.for %scan3A_450 = %scan3A_172 to %scan3A_174 step %scan3A_175 iter_args(%scan3A_451 = %scan3A_171) -> (i32)  : i32 {
      %broadcast_in_dim3A = arith.constant 0.000000e+00 : f32
      %broadcast_in_dim3A_452 = vector.broadcast %broadcast_in_dim3A : f32 to vector<16xf32>
      %scan3A_453 = arith.constant 0 : i32
      %scan3A_454 = arith.constant 50 : i32
      %scan3A_455 = arith.addi %scan3A_453, %scan3A_454 : i32
      %scan3A_456 = arith.constant 1 : i32
      %scan3A_457:4 = scf.for %scan3A_472 = %scan3A_453 to %scan3A_455 step %scan3A_456 iter_args(%scan3A_473 = %broadcast_in_dim3A_452, %scan3A_474 = %broadcast_in_dim3A_452, %scan3A_475 = %broadcast_in_dim3A_452, %scan3A_476 = %broadcast_in_dim3A_452) -> (vector<16xf32>, vector<16xf32>, vector<16xf32>, vector<16xf32>)  : i32 {
        %mul3A_477 = arith.constant 200 : i32
        %mul3A_478 = arith.muli %scan3A_450, %mul3A_477 : i32
        %mul3A_479 = arith.constant 4 : i32
        %mul3A_480 = arith.muli %mul3A_479, %scan3A_472 : i32
        %add3A_481 = arith.addi %mul3A_478, %mul3A_480 : i32
        %get3A_482 = arith.constant 1 : i32
        %get3A_483 = arith.index_cast %get3A_482 : i32 to index
        %get3A_484 = arith.index_cast %add3A_481 : i32 to index
        %get3A_485 = arith.constant 0 : index
        %get3A_486 = tpu.vector_load %arg7[%get3A_483, %get3A_484, %get3A_485] {strides = array<i32>} : memref<2x1600x16xf32, #tpu.memory_space<vmem>>, vector<1x1x16xf32>,
        %get3A_487 = vector.shape_cast %get3A_486 : vector<1x1x16xf32> to vector<16xf32>
        %add3A_488 = arith.addf %scan3A_473, %get3A_487 : vector<16xf32>
        %add3A_489 = arith.constant 1 : i32
        %add3A_490 = arith.addi %add3A_481, %add3A_489 : i32
        %get3A_491 = arith.constant 1 : i32
        %get3A_492 = arith.index_cast %get3A_491 : i32 to index
        %get3A_493 = arith.index_cast %add3A_490 : i32 to index
        %get3A_494 = arith.constant 0 : index
        %get3A_495 = tpu.vector_load %arg7[%get3A_492, %get3A_493, %get3A_494] {strides = array<i32>} : memref<2x1600x16xf32, #tpu.memory_space<vmem>>, vector<1x1x16xf32>,
        %get3A_496 = vector.shape_cast %get3A_495 : vector<1x1x16xf32> to vector<16xf32>
        %add3A_497 = arith.addf %scan3A_474, %get3A_496 : vector<16xf32>
        %add3A_498 = arith.constant 2 : i32
        %add3A_499 = arith.addi %add3A_481, %add3A_498 : i32
        %get3A_500 = arith.constant 1 : i32
        %get3A_501 = arith.index_cast %get3A_500 : i32 to index
        %get3A_502 = arith.index_cast %add3A_499 : i32 to index
        %get3A_503 = arith.constant 0 : index
        %get3A_504 = tpu.vector_load %arg7[%get3A_501, %get3A_502, %get3A_503] {strides = array<i32>} : memref<2x1600x16xf32, #tpu.memory_space<vmem>>, vector<1x1x16xf32>,
        %get3A_505 = vector.shape_cast %get3A_504 : vector<1x1x16xf32> to vector<16xf32>
        %add3A_506 = arith.addf %scan3A_475, %get3A_505 : vector<16xf32>
        %add3A_507 = arith.constant 3 : i32
        %add3A_508 = arith.addi %add3A_481, %add3A_507 : i32
        %get3A_509 = arith.constant 1 : i32
        %get3A_510 = arith.index_cast %get3A_509 : i32 to index
        %get3A_511 = arith.index_cast %add3A_508 : i32 to index
        %get3A_512 = arith.constant 0 : index
        %get3A_513 = tpu.vector_load %arg7[%get3A_510, %get3A_511, %get3A_512] {strides = array<i32>} : memref<2x1600x16xf32, #tpu.memory_space<vmem>>, vector<1x1x16xf32>,
        %get3A_514 = vector.shape_cast %get3A_513 : vector<1x1x16xf32> to vector<16xf32>
        %add3A_515 = arith.addf %scan3A_476, %get3A_514 : vector<16xf32>
        scf.yield %add3A_488, %add3A_497, %add3A_506, %add3A_515 : vector<16xf32>, vector<16xf32>, vector<16xf32>, vector<16xf32>
      }
      %scan3A_458 = arith.constant 50 : i32
      %add3A_459 = arith.addf %scan3A_457#0, %scan3A_457#1 : vector<16xf32>
      %add3A_460 = arith.addf %scan3A_457#2, %scan3A_457#3 : vector<16xf32>
      %add3A_461 = arith.addf %add3A_459, %add3A_460 : vector<16xf32>
      %mul3A_462 = vector.broadcast %scan3A_170 : f32 to vector<16xf32>
      %mul3A_463 = arith.mulf %add3A_461, %mul3A_462 : vector<16xf32>
      %add3A_464 = arith.addf %mul3A_463, %get3A_2 : vector<16xf32>
      %add3A_465 = arith.constant 40 : i32
      %add3A_466 = arith.addi %add3A_465, %scan3A_450 : i32
      %swap3A = arith.index_cast %add3A_466 : i32 to index
      %swap3A_467 = arith.constant 0 : index
      %swap3A_468 = tpu.vector_load %arg8[%swap3A, %swap3A_467] {strides = array<i32>} : memref<128x16xf32, #tpu.memory_space<vmem>>, vector<1x16xf32>,
      %swap3A_469 = vector.shape_cast %swap3A_468 : vector<1x16xf32> to vector<16xf32>
      %swap3A_470 = vector.shape_cast %add3A_464 : vector<16xf32> to vector<1x16xf32>
      tpu.vector_store %arg8[%swap3A, %swap3A_467], %swap3A_470 {strides = array<i32>} : memref<128x16xf32, #tpu.memory_space<vmem>>, vector<1x16xf32>,
      %scan3A_471 = arith.constant 0 : i32
      scf.yield %scan3A_471 : i32
    }
    %scan3A_177 = arith.constant 8 : i32
    %dma_start3A_178 = arith.constant 1 : i32
    %dma_start3A_179 = arith.constant 0 : i32
    %dma_start3A_180 = arith.constant 0 : i32
    %dma_start3A_181 = tpu.memref_slice %arg7[%dma_start3A_178, %dma_start3A_179, %dma_start3A_180] : memref<2x1600x16xf32, #tpu.memory_space<vmem>> -> memref<1x1600x16xf32, #tpu.memory_space<vmem>>
    %dma_start3A_182 = tpu.memref_squeeze %dma_start3A_181 : memref<1x1600x16xf32, #tpu.memory_space<vmem>> -> memref<1600x16xf32, #tpu.memory_space<vmem>>
    %dma_start3A_183 = arith.constant 11200 : i32
    %dma_start3A_184 = tpu.memref_slice %arg6[%dma_start3A_183] : memref<25600xi32, #tpu.memory_space<vmem>> -> memref<1600xi32, #tpu.memory_space<vmem>>
    %dma_start3A_185 = arith.constant 0 : i32
    %dma_start3A_186 = arith.constant 0 : i32
    %dma_start3A_187 = tpu.memref_slice %arg3[%dma_start3A_185, %dma_start3A_186] : memref<1007616x16xf32, #tpu.memory_space<hbm>> -> memref<1007616x16xf32, #tpu.memory_space<hbm>>
    tpu.enqueue_indirect_dma source(%dma_start3A_187 : memref<1007616x16xf32, #tpu.memory_space<hbm>>) target(%dma_start3A_182 : memref<1600x16xf32, #tpu.memory_space<vmem>>) offsets(%dma_start3A_184 : memref<1600xi32, #tpu.memory_space<vmem>>) semaphore(%arg11 : memref<!tpu.dma_semaphore, #tpu.memory_space<semaphore_mem>>)
    %dma_wait3A_188 = arith.constant 0 : i32
    %dma_wait3A_189 = arith.constant 0 : i32
    %dma_wait3A_190 = arith.constant 0 : i32
    %dma_wait3A_191 = tpu.memref_slice %arg7[%dma_wait3A_188, %dma_wait3A_189, %dma_wait3A_190] : memref<2x1600x16xf32, #tpu.memory_space<vmem>> -> memref<1x1600x16xf32, #tpu.memory_space<vmem>>
    %dma_wait3A_192 = tpu.memref_squeeze %dma_wait3A_191 : memref<1x1600x16xf32, #tpu.memory_space<vmem>> -> memref<1600x16xf32, #tpu.memory_space<vmem>>
    %dma_wait3A_193 = arith.constant 9600 : i32
    %dma_wait3A_194 = tpu.memref_slice %arg6[%dma_wait3A_193] : memref<25600xi32, #tpu.memory_space<vmem>> -> memref<1600xi32, #tpu.memory_space<vmem>>
    %dma_wait3A_195 = arith.constant 0 : i32
    %dma_wait3A_196 = arith.constant 0 : i32
    %dma_wait3A_197 = tpu.memref_slice %arg3[%dma_wait3A_195, %dma_wait3A_196] : memref<1007616x16xf32, #tpu.memory_space<hbm>> -> memref<1007616x16xf32, #tpu.memory_space<hbm>>
    tpu.wait_indirect_dma semaphore(%arg10 : memref<!tpu.dma_semaphore, #tpu.memory_space<semaphore_mem>>) src(%dma_wait3A_197 : memref<1007616x16xf32, #tpu.memory_space<hbm>>) dst(%dma_wait3A_192 : memref<1600x16xf32, #tpu.memory_space<vmem>>)
    %scan3A_198 = arith.constant 5.000000e-03 : f32
    %scan3A_199 = arith.constant 0 : i32
    %scan3A_200 = arith.constant 0 : i32
    %scan3A_201 = arith.constant 8 : i32
    %scan3A_202 = arith.addi %scan3A_200, %scan3A_201 : i32
    %scan3A_203 = arith.constant 1 : i32
    %scan3A_204 = scf.for %scan3A_450 = %scan3A_200 to %scan3A_202 step %scan3A_203 iter_args(%scan3A_451 = %scan3A_199) -> (i32)  : i32 {
      %broadcast_in_dim3A = arith.constant 0.000000e+00 : f32
      %broadcast_in_dim3A_452 = vector.broadcast %broadcast_in_dim3A : f32 to vector<16xf32>
      %scan3A_453 = arith.constant 0 : i32
      %scan3A_454 = arith.constant 50 : i32
      %scan3A_455 = arith.addi %scan3A_453, %scan3A_454 : i32
      %scan3A_456 = arith.constant 1 : i32
      %scan3A_457:4 = scf.for %scan3A_472 = %scan3A_453 to %scan3A_455 step %scan3A_456 iter_args(%scan3A_473 = %broadcast_in_dim3A_452, %scan3A_474 = %broadcast_in_dim3A_452, %scan3A_475 = %broadcast_in_dim3A_452, %scan3A_476 = %broadcast_in_dim3A_452) -> (vector<16xf32>, vector<16xf32>, vector<16xf32>, vector<16xf32>)  : i32 {
        %mul3A_477 = arith.constant 200 : i32
        %mul3A_478 = arith.muli %scan3A_450, %mul3A_477 : i32
        %mul3A_479 = arith.constant 4 : i32
        %mul3A_480 = arith.muli %mul3A_479, %scan3A_472 : i32
        %add3A_481 = arith.addi %mul3A_478, %mul3A_480 : i32
        %get3A_482 = arith.constant 0 : i32
        %get3A_483 = arith.index_cast %get3A_482 : i32 to index
        %get3A_484 = arith.index_cast %add3A_481 : i32 to index
        %get3A_485 = arith.constant 0 : index
        %get3A_486 = tpu.vector_load %arg7[%get3A_483, %get3A_484, %get3A_485] {strides = array<i32>} : memref<2x1600x16xf32, #tpu.memory_space<vmem>>, vector<1x1x16xf32>,
        %get3A_487 = vector.shape_cast %get3A_486 : vector<1x1x16xf32> to vector<16xf32>
        %add3A_488 = arith.addf %scan3A_473, %get3A_487 : vector<16xf32>
        %add3A_489 = arith.constant 1 : i32
        %add3A_490 = arith.addi %add3A_481, %add3A_489 : i32
        %get3A_491 = arith.constant 0 : i32
        %get3A_492 = arith.index_cast %get3A_491 : i32 to index
        %get3A_493 = arith.index_cast %add3A_490 : i32 to index
        %get3A_494 = arith.constant 0 : index
        %get3A_495 = tpu.vector_load %arg7[%get3A_492, %get3A_493, %get3A_494] {strides = array<i32>} : memref<2x1600x16xf32, #tpu.memory_space<vmem>>, vector<1x1x16xf32>,
        %get3A_496 = vector.shape_cast %get3A_495 : vector<1x1x16xf32> to vector<16xf32>
        %add3A_497 = arith.addf %scan3A_474, %get3A_496 : vector<16xf32>
        %add3A_498 = arith.constant 2 : i32
        %add3A_499 = arith.addi %add3A_481, %add3A_498 : i32
        %get3A_500 = arith.constant 0 : i32
        %get3A_501 = arith.index_cast %get3A_500 : i32 to index
        %get3A_502 = arith.index_cast %add3A_499 : i32 to index
        %get3A_503 = arith.constant 0 : index
        %get3A_504 = tpu.vector_load %arg7[%get3A_501, %get3A_502, %get3A_503] {strides = array<i32>} : memref<2x1600x16xf32, #tpu.memory_space<vmem>>, vector<1x1x16xf32>,
        %get3A_505 = vector.shape_cast %get3A_504 : vector<1x1x16xf32> to vector<16xf32>
        %add3A_506 = arith.addf %scan3A_475, %get3A_505 : vector<16xf32>
        %add3A_507 = arith.constant 3 : i32
        %add3A_508 = arith.addi %add3A_481, %add3A_507 : i32
        %get3A_509 = arith.constant 0 : i32
        %get3A_510 = arith.index_cast %get3A_509 : i32 to index
        %get3A_511 = arith.index_cast %add3A_508 : i32 to index
        %get3A_512 = arith.constant 0 : index
        %get3A_513 = tpu.vector_load %arg7[%get3A_510, %get3A_511, %get3A_512] {strides = array<i32>} : memref<2x1600x16xf32, #tpu.memory_space<vmem>>, vector<1x1x16xf32>,
        %get3A_514 = vector.shape_cast %get3A_513 : vector<1x1x16xf32> to vector<16xf32>
        %add3A_515 = arith.addf %scan3A_476, %get3A_514 : vector<16xf32>
        scf.yield %add3A_488, %add3A_497, %add3A_506, %add3A_515 : vector<16xf32>, vector<16xf32>, vector<16xf32>, vector<16xf32>
      }
      %scan3A_458 = arith.constant 50 : i32
      %add3A_459 = arith.addf %scan3A_457#0, %scan3A_457#1 : vector<16xf32>
      %add3A_460 = arith.addf %scan3A_457#2, %scan3A_457#3 : vector<16xf32>
      %add3A_461 = arith.addf %add3A_459, %add3A_460 : vector<16xf32>
      %mul3A_462 = vector.broadcast %scan3A_198 : f32 to vector<16xf32>
      %mul3A_463 = arith.mulf %add3A_461, %mul3A_462 : vector<16xf32>
      %add3A_464 = arith.addf %mul3A_463, %get3A_2 : vector<16xf32>
      %add3A_465 = arith.constant 48 : i32
      %add3A_466 = arith.addi %add3A_465, %scan3A_450 : i32
      %swap3A = arith.index_cast %add3A_466 : i32 to index
      %swap3A_467 = arith.constant 0 : index
      %swap3A_468 = tpu.vector_load %arg8[%swap3A, %swap3A_467] {strides = array<i32>} : memref<128x16xf32, #tpu.memory_space<vmem>>, vector<1x16xf32>,
      %swap3A_469 = vector.shape_cast %swap3A_468 : vector<1x16xf32> to vector<16xf32>
      %swap3A_470 = vector.shape_cast %add3A_464 : vector<16xf32> to vector<1x16xf32>
      tpu.vector_store %arg8[%swap3A, %swap3A_467], %swap3A_470 {strides = array<i32>} : memref<128x16xf32, #tpu.memory_space<vmem>>, vector<1x16xf32>,
      %scan3A_471 = arith.constant 0 : i32
      scf.yield %scan3A_471 : i32
    }
    %scan3A_205 = arith.constant 8 : i32
    %dma_start3A_206 = arith.constant 0 : i32
    %dma_start3A_207 = arith.constant 0 : i32
    %dma_start3A_208 = arith.constant 0 : i32
    %dma_start3A_209 = tpu.memref_slice %arg7[%dma_start3A_206, %dma_start3A_207, %dma_start3A_208] : memref<2x1600x16xf32, #tpu.memory_space<vmem>> -> memref<1x1600x16xf32, #tpu.memory_space<vmem>>
    %dma_start3A_210 = tpu.memref_squeeze %dma_start3A_209 : memref<1x1600x16xf32, #tpu.memory_space<vmem>> -> memref<1600x16xf32, #tpu.memory_space<vmem>>
    %dma_start3A_211 = arith.constant 12800 : i32
    %dma_start3A_212 = tpu.memref_slice %arg6[%dma_start3A_211] : memref<25600xi32, #tpu.memory_space<vmem>> -> memref<1600xi32, #tpu.memory_space<vmem>>
    %dma_start3A_213 = arith.constant 0 : i32
    %dma_start3A_214 = arith.constant 0 : i32
    %dma_start3A_215 = tpu.memref_slice %arg3[%dma_start3A_213, %dma_start3A_214] : memref<1007616x16xf32, #tpu.memory_space<hbm>> -> memref<1007616x16xf32, #tpu.memory_space<hbm>>
    tpu.enqueue_indirect_dma source(%dma_start3A_215 : memref<1007616x16xf32, #tpu.memory_space<hbm>>) target(%dma_start3A_210 : memref<1600x16xf32, #tpu.memory_space<vmem>>) offsets(%dma_start3A_212 : memref<1600xi32, #tpu.memory_space<vmem>>) semaphore(%arg10 : memref<!tpu.dma_semaphore, #tpu.memory_space<semaphore_mem>>)
    %dma_wait3A_216 = arith.constant 1 : i32
    %dma_wait3A_217 = arith.constant 0 : i32
    %dma_wait3A_218 = arith.constant 0 : i32
    %dma_wait3A_219 = tpu.memref_slice %arg7[%dma_wait3A_216, %dma_wait3A_217, %dma_wait3A_218] : memref<2x1600x16xf32, #tpu.memory_space<vmem>> -> memref<1x1600x16xf32, #tpu.memory_space<vmem>>
    %dma_wait3A_220 = tpu.memref_squeeze %dma_wait3A_219 : memref<1x1600x16xf32, #tpu.memory_space<vmem>> -> memref<1600x16xf32, #tpu.memory_space<vmem>>
    %dma_wait3A_221 = arith.constant 11200 : i32
    %dma_wait3A_222 = tpu.memref_slice %arg6[%dma_wait3A_221] : memref<25600xi32, #tpu.memory_space<vmem>> -> memref<1600xi32, #tpu.memory_space<vmem>>
    %dma_wait3A_223 = arith.constant 0 : i32
    %dma_wait3A_224 = arith.constant 0 : i32
    %dma_wait3A_225 = tpu.memref_slice %arg3[%dma_wait3A_223, %dma_wait3A_224] : memref<1007616x16xf32, #tpu.memory_space<hbm>> -> memref<1007616x16xf32, #tpu.memory_space<hbm>>
    tpu.wait_indirect_dma semaphore(%arg11 : memref<!tpu.dma_semaphore, #tpu.memory_space<semaphore_mem>>) src(%dma_wait3A_225 : memref<1007616x16xf32, #tpu.memory_space<hbm>>) dst(%dma_wait3A_220 : memref<1600x16xf32, #tpu.memory_space<vmem>>)
    %scan3A_226 = arith.constant 5.000000e-03 : f32
    %scan3A_227 = arith.constant 0 : i32
    %scan3A_228 = arith.constant 0 : i32
    %scan3A_229 = arith.constant 8 : i32
    %scan3A_230 = arith.addi %scan3A_228, %scan3A_229 : i32
    %scan3A_231 = arith.constant 1 : i32
    %scan3A_232 = scf.for %scan3A_450 = %scan3A_228 to %scan3A_230 step %scan3A_231 iter_args(%scan3A_451 = %scan3A_227) -> (i32)  : i32 {
      %broadcast_in_dim3A = arith.constant 0.000000e+00 : f32
      %broadcast_in_dim3A_452 = vector.broadcast %broadcast_in_dim3A : f32 to vector<16xf32>
      %scan3A_453 = arith.constant 0 : i32
      %scan3A_454 = arith.constant 50 : i32
      %scan3A_455 = arith.addi %scan3A_453, %scan3A_454 : i32
      %scan3A_456 = arith.constant 1 : i32
      %scan3A_457:4 = scf.for %scan3A_472 = %scan3A_453 to %scan3A_455 step %scan3A_456 iter_args(%scan3A_473 = %broadcast_in_dim3A_452, %scan3A_474 = %broadcast_in_dim3A_452, %scan3A_475 = %broadcast_in_dim3A_452, %scan3A_476 = %broadcast_in_dim3A_452) -> (vector<16xf32>, vector<16xf32>, vector<16xf32>, vector<16xf32>)  : i32 {
        %mul3A_477 = arith.constant 200 : i32
        %mul3A_478 = arith.muli %scan3A_450, %mul3A_477 : i32
        %mul3A_479 = arith.constant 4 : i32
        %mul3A_480 = arith.muli %mul3A_479, %scan3A_472 : i32
        %add3A_481 = arith.addi %mul3A_478, %mul3A_480 : i32
        %get3A_482 = arith.constant 1 : i32
        %get3A_483 = arith.index_cast %get3A_482 : i32 to index
        %get3A_484 = arith.index_cast %add3A_481 : i32 to index
        %get3A_485 = arith.constant 0 : index
        %get3A_486 = tpu.vector_load %arg7[%get3A_483, %get3A_484, %get3A_485] {strides = array<i32>} : memref<2x1600x16xf32, #tpu.memory_space<vmem>>, vector<1x1x16xf32>,
        %get3A_487 = vector.shape_cast %get3A_486 : vector<1x1x16xf32> to vector<16xf32>
        %add3A_488 = arith.addf %scan3A_473, %get3A_487 : vector<16xf32>
        %add3A_489 = arith.constant 1 : i32
        %add3A_490 = arith.addi %add3A_481, %add3A_489 : i32
        %get3A_491 = arith.constant 1 : i32
        %get3A_492 = arith.index_cast %get3A_491 : i32 to index
        %get3A_493 = arith.index_cast %add3A_490 : i32 to index
        %get3A_494 = arith.constant 0 : index
        %get3A_495 = tpu.vector_load %arg7[%get3A_492, %get3A_493, %get3A_494] {strides = array<i32>} : memref<2x1600x16xf32, #tpu.memory_space<vmem>>, vector<1x1x16xf32>,
        %get3A_496 = vector.shape_cast %get3A_495 : vector<1x1x16xf32> to vector<16xf32>
        %add3A_497 = arith.addf %scan3A_474, %get3A_496 : vector<16xf32>
        %add3A_498 = arith.constant 2 : i32
        %add3A_499 = arith.addi %add3A_481, %add3A_498 : i32
        %get3A_500 = arith.constant 1 : i32
        %get3A_501 = arith.index_cast %get3A_500 : i32 to index
        %get3A_502 = arith.index_cast %add3A_499 : i32 to index
        %get3A_503 = arith.constant 0 : index
        %get3A_504 = tpu.vector_load %arg7[%get3A_501, %get3A_502, %get3A_503] {strides = array<i32>} : memref<2x1600x16xf32, #tpu.memory_space<vmem>>, vector<1x1x16xf32>,
        %get3A_505 = vector.shape_cast %get3A_504 : vector<1x1x16xf32> to vector<16xf32>
        %add3A_506 = arith.addf %scan3A_475, %get3A_505 : vector<16xf32>
        %add3A_507 = arith.constant 3 : i32
        %add3A_508 = arith.addi %add3A_481, %add3A_507 : i32
        %get3A_509 = arith.constant 1 : i32
        %get3A_510 = arith.index_cast %get3A_509 : i32 to index
        %get3A_511 = arith.index_cast %add3A_508 : i32 to index
        %get3A_512 = arith.constant 0 : index
        %get3A_513 = tpu.vector_load %arg7[%get3A_510, %get3A_511, %get3A_512] {strides = array<i32>} : memref<2x1600x16xf32, #tpu.memory_space<vmem>>, vector<1x1x16xf32>,
        %get3A_514 = vector.shape_cast %get3A_513 : vector<1x1x16xf32> to vector<16xf32>
        %add3A_515 = arith.addf %scan3A_476, %get3A_514 : vector<16xf32>
        scf.yield %add3A_488, %add3A_497, %add3A_506, %add3A_515 : vector<16xf32>, vector<16xf32>, vector<16xf32>, vector<16xf32>
      }
      %scan3A_458 = arith.constant 50 : i32
      %add3A_459 = arith.addf %scan3A_457#0, %scan3A_457#1 : vector<16xf32>
      %add3A_460 = arith.addf %scan3A_457#2, %scan3A_457#3 : vector<16xf32>
      %add3A_461 = arith.addf %add3A_459, %add3A_460 : vector<16xf32>
      %mul3A_462 = vector.broadcast %scan3A_226 : f32 to vector<16xf32>
      %mul3A_463 = arith.mulf %add3A_461, %mul3A_462 : vector<16xf32>
      %add3A_464 = arith.addf %mul3A_463, %get3A_2 : vector<16xf32>
      %add3A_465 = arith.constant 56 : i32
      %add3A_466 = arith.addi %add3A_465, %scan3A_450 : i32
      %swap3A = arith.index_cast %add3A_466 : i32 to index
      %swap3A_467 = arith.constant 0 : index
      %swap3A_468 = tpu.vector_load %arg8[%swap3A, %swap3A_467] {strides = array<i32>} : memref<128x16xf32, #tpu.memory_space<vmem>>, vector<1x16xf32>,
      %swap3A_469 = vector.shape_cast %swap3A_468 : vector<1x16xf32> to vector<16xf32>
      %swap3A_470 = vector.shape_cast %add3A_464 : vector<16xf32> to vector<1x16xf32>
      tpu.vector_store %arg8[%swap3A, %swap3A_467], %swap3A_470 {strides = array<i32>} : memref<128x16xf32, #tpu.memory_space<vmem>>, vector<1x16xf32>,
      %scan3A_471 = arith.constant 0 : i32
      scf.yield %scan3A_471 : i32
    }
    %scan3A_233 = arith.constant 8 : i32
    %dma_start3A_234 = arith.constant 1 : i32
    %dma_start3A_235 = arith.constant 0 : i32
    %dma_start3A_236 = arith.constant 0 : i32
    %dma_start3A_237 = tpu.memref_slice %arg7[%dma_start3A_234, %dma_start3A_235, %dma_start3A_236] : memref<2x1600x16xf32, #tpu.memory_space<vmem>> -> memref<1x1600x16xf32, #tpu.memory_space<vmem>>
    %dma_start3A_238 = tpu.memref_squeeze %dma_start3A_237 : memref<1x1600x16xf32, #tpu.memory_space<vmem>> -> memref<1600x16xf32, #tpu.memory_space<vmem>>
    %dma_start3A_239 = arith.constant 14400 : i32
    %dma_start3A_240 = tpu.memref_slice %arg6[%dma_start3A_239] : memref<25600xi32, #tpu.memory_space<vmem>> -> memref<1600xi32, #tpu.memory_space<vmem>>
    %dma_start3A_241 = arith.constant 0 : i32
    %dma_start3A_242 = arith.constant 0 : i32
    %dma_start3A_243 = tpu.memref_slice %arg3[%dma_start3A_241, %dma_start3A_242] : memref<1007616x16xf32, #tpu.memory_space<hbm>> -> memref<1007616x16xf32, #tpu.memory_space<hbm>>
    tpu.enqueue_indirect_dma source(%dma_start3A_243 : memref<1007616x16xf32, #tpu.memory_space<hbm>>) target(%dma_start3A_238 : memref<1600x16xf32, #tpu.memory_space<vmem>>) offsets(%dma_start3A_240 : memref<1600xi32, #tpu.memory_space<vmem>>) semaphore(%arg11 : memref<!tpu.dma_semaphore, #tpu.memory_space<semaphore_mem>>)
    %dma_wait3A_244 = arith.constant 0 : i32
    %dma_wait3A_245 = arith.constant 0 : i32
    %dma_wait3A_246 = arith.constant 0 : i32
    %dma_wait3A_247 = tpu.memref_slice %arg7[%dma_wait3A_244, %dma_wait3A_245, %dma_wait3A_246] : memref<2x1600x16xf32, #tpu.memory_space<vmem>> -> memref<1x1600x16xf32, #tpu.memory_space<vmem>>
    %dma_wait3A_248 = tpu.memref_squeeze %dma_wait3A_247 : memref<1x1600x16xf32, #tpu.memory_space<vmem>> -> memref<1600x16xf32, #tpu.memory_space<vmem>>
    %dma_wait3A_249 = arith.constant 12800 : i32
    %dma_wait3A_250 = tpu.memref_slice %arg6[%dma_wait3A_249] : memref<25600xi32, #tpu.memory_space<vmem>> -> memref<1600xi32, #tpu.memory_space<vmem>>
    %dma_wait3A_251 = arith.constant 0 : i32
    %dma_wait3A_252 = arith.constant 0 : i32
    %dma_wait3A_253 = tpu.memref_slice %arg3[%dma_wait3A_251, %dma_wait3A_252] : memref<1007616x16xf32, #tpu.memory_space<hbm>> -> memref<1007616x16xf32, #tpu.memory_space<hbm>>
    tpu.wait_indirect_dma semaphore(%arg10 : memref<!tpu.dma_semaphore, #tpu.memory_space<semaphore_mem>>) src(%dma_wait3A_253 : memref<1007616x16xf32, #tpu.memory_space<hbm>>) dst(%dma_wait3A_248 : memref<1600x16xf32, #tpu.memory_space<vmem>>)
    %scan3A_254 = arith.constant 5.000000e-03 : f32
    %scan3A_255 = arith.constant 0 : i32
    %scan3A_256 = arith.constant 0 : i32
    %scan3A_257 = arith.constant 8 : i32
    %scan3A_258 = arith.addi %scan3A_256, %scan3A_257 : i32
    %scan3A_259 = arith.constant 1 : i32
    %scan3A_260 = scf.for %scan3A_450 = %scan3A_256 to %scan3A_258 step %scan3A_259 iter_args(%scan3A_451 = %scan3A_255) -> (i32)  : i32 {
      %broadcast_in_dim3A = arith.constant 0.000000e+00 : f32
      %broadcast_in_dim3A_452 = vector.broadcast %broadcast_in_dim3A : f32 to vector<16xf32>
      %scan3A_453 = arith.constant 0 : i32
      %scan3A_454 = arith.constant 50 : i32
      %scan3A_455 = arith.addi %scan3A_453, %scan3A_454 : i32
      %scan3A_456 = arith.constant 1 : i32
      %scan3A_457:4 = scf.for %scan3A_472 = %scan3A_453 to %scan3A_455 step %scan3A_456 iter_args(%scan3A_473 = %broadcast_in_dim3A_452, %scan3A_474 = %broadcast_in_dim3A_452, %scan3A_475 = %broadcast_in_dim3A_452, %scan3A_476 = %broadcast_in_dim3A_452) -> (vector<16xf32>, vector<16xf32>, vector<16xf32>, vector<16xf32>)  : i32 {
        %mul3A_477 = arith.constant 200 : i32
        %mul3A_478 = arith.muli %scan3A_450, %mul3A_477 : i32
        %mul3A_479 = arith.constant 4 : i32
        %mul3A_480 = arith.muli %mul3A_479, %scan3A_472 : i32
        %add3A_481 = arith.addi %mul3A_478, %mul3A_480 : i32
        %get3A_482 = arith.constant 0 : i32
        %get3A_483 = arith.index_cast %get3A_482 : i32 to index
        %get3A_484 = arith.index_cast %add3A_481 : i32 to index
        %get3A_485 = arith.constant 0 : index
        %get3A_486 = tpu.vector_load %arg7[%get3A_483, %get3A_484, %get3A_485] {strides = array<i32>} : memref<2x1600x16xf32, #tpu.memory_space<vmem>>, vector<1x1x16xf32>,
        %get3A_487 = vector.shape_cast %get3A_486 : vector<1x1x16xf32> to vector<16xf32>
        %add3A_488 = arith.addf %scan3A_473, %get3A_487 : vector<16xf32>
        %add3A_489 = arith.constant 1 : i32
        %add3A_490 = arith.addi %add3A_481, %add3A_489 : i32
        %get3A_491 = arith.constant 0 : i32
        %get3A_492 = arith.index_cast %get3A_491 : i32 to index
        %get3A_493 = arith.index_cast %add3A_490 : i32 to index
        %get3A_494 = arith.constant 0 : index
        %get3A_495 = tpu.vector_load %arg7[%get3A_492, %get3A_493, %get3A_494] {strides = array<i32>} : memref<2x1600x16xf32, #tpu.memory_space<vmem>>, vector<1x1x16xf32>,
        %get3A_496 = vector.shape_cast %get3A_495 : vector<1x1x16xf32> to vector<16xf32>
        %add3A_497 = arith.addf %scan3A_474, %get3A_496 : vector<16xf32>
        %add3A_498 = arith.constant 2 : i32
        %add3A_499 = arith.addi %add3A_481, %add3A_498 : i32
        %get3A_500 = arith.constant 0 : i32
        %get3A_501 = arith.index_cast %get3A_500 : i32 to index
        %get3A_502 = arith.index_cast %add3A_499 : i32 to index
        %get3A_503 = arith.constant 0 : index
        %get3A_504 = tpu.vector_load %arg7[%get3A_501, %get3A_502, %get3A_503] {strides = array<i32>} : memref<2x1600x16xf32, #tpu.memory_space<vmem>>, vector<1x1x16xf32>,
        %get3A_505 = vector.shape_cast %get3A_504 : vector<1x1x16xf32> to vector<16xf32>
        %add3A_506 = arith.addf %scan3A_475, %get3A_505 : vector<16xf32>
        %add3A_507 = arith.constant 3 : i32
        %add3A_508 = arith.addi %add3A_481, %add3A_507 : i32
        %get3A_509 = arith.constant 0 : i32
        %get3A_510 = arith.index_cast %get3A_509 : i32 to index
        %get3A_511 = arith.index_cast %add3A_508 : i32 to index
        %get3A_512 = arith.constant 0 : index
        %get3A_513 = tpu.vector_load %arg7[%get3A_510, %get3A_511, %get3A_512] {strides = array<i32>} : memref<2x1600x16xf32, #tpu.memory_space<vmem>>, vector<1x1x16xf32>,
        %get3A_514 = vector.shape_cast %get3A_513 : vector<1x1x16xf32> to vector<16xf32>
        %add3A_515 = arith.addf %scan3A_476, %get3A_514 : vector<16xf32>
        scf.yield %add3A_488, %add3A_497, %add3A_506, %add3A_515 : vector<16xf32>, vector<16xf32>, vector<16xf32>, vector<16xf32>
      }
      %scan3A_458 = arith.constant 50 : i32
      %add3A_459 = arith.addf %scan3A_457#0, %scan3A_457#1 : vector<16xf32>
      %add3A_460 = arith.addf %scan3A_457#2, %scan3A_457#3 : vector<16xf32>
      %add3A_461 = arith.addf %add3A_459, %add3A_460 : vector<16xf32>
      %mul3A_462 = vector.broadcast %scan3A_254 : f32 to vector<16xf32>
      %mul3A_463 = arith.mulf %add3A_461, %mul3A_462 : vector<16xf32>
      %add3A_464 = arith.addf %mul3A_463, %get3A_2 : vector<16xf32>
      %add3A_465 = arith.constant 64 : i32
      %add3A_466 = arith.addi %add3A_465, %scan3A_450 : i32
      %swap3A = arith.index_cast %add3A_466 : i32 to index
      %swap3A_467 = arith.constant 0 : index
      %swap3A_468 = tpu.vector_load %arg8[%swap3A, %swap3A_467] {strides = array<i32>} : memref<128x16xf32, #tpu.memory_space<vmem>>, vector<1x16xf32>,
      %swap3A_469 = vector.shape_cast %swap3A_468 : vector<1x16xf32> to vector<16xf32>
      %swap3A_470 = vector.shape_cast %add3A_464 : vector<16xf32> to vector<1x16xf32>
      tpu.vector_store %arg8[%swap3A, %swap3A_467], %swap3A_470 {strides = array<i32>} : memref<128x16xf32, #tpu.memory_space<vmem>>, vector<1x16xf32>,
      %scan3A_471 = arith.constant 0 : i32
      scf.yield %scan3A_471 : i32
    }
    %scan3A_261 = arith.constant 8 : i32
    %dma_start3A_262 = arith.constant 0 : i32
    %dma_start3A_263 = arith.constant 0 : i32
    %dma_start3A_264 = arith.constant 0 : i32
    %dma_start3A_265 = tpu.memref_slice %arg7[%dma_start3A_262, %dma_start3A_263, %dma_start3A_264] : memref<2x1600x16xf32, #tpu.memory_space<vmem>> -> memref<1x1600x16xf32, #tpu.memory_space<vmem>>
    %dma_start3A_266 = tpu.memref_squeeze %dma_start3A_265 : memref<1x1600x16xf32, #tpu.memory_space<vmem>> -> memref<1600x16xf32, #tpu.memory_space<vmem>>
    %dma_start3A_267 = arith.constant 16000 : i32
    %dma_start3A_268 = tpu.memref_slice %arg6[%dma_start3A_267] : memref<25600xi32, #tpu.memory_space<vmem>> -> memref<1600xi32, #tpu.memory_space<vmem>>
    %dma_start3A_269 = arith.constant 0 : i32
    %dma_start3A_270 = arith.constant 0 : i32
    %dma_start3A_271 = tpu.memref_slice %arg3[%dma_start3A_269, %dma_start3A_270] : memref<1007616x16xf32, #tpu.memory_space<hbm>> -> memref<1007616x16xf32, #tpu.memory_space<hbm>>
    tpu.enqueue_indirect_dma source(%dma_start3A_271 : memref<1007616x16xf32, #tpu.memory_space<hbm>>) target(%dma_start3A_266 : memref<1600x16xf32, #tpu.memory_space<vmem>>) offsets(%dma_start3A_268 : memref<1600xi32, #tpu.memory_space<vmem>>) semaphore(%arg10 : memref<!tpu.dma_semaphore, #tpu.memory_space<semaphore_mem>>)
    %dma_wait3A_272 = arith.constant 1 : i32
    %dma_wait3A_273 = arith.constant 0 : i32
    %dma_wait3A_274 = arith.constant 0 : i32
    %dma_wait3A_275 = tpu.memref_slice %arg7[%dma_wait3A_272, %dma_wait3A_273, %dma_wait3A_274] : memref<2x1600x16xf32, #tpu.memory_space<vmem>> -> memref<1x1600x16xf32, #tpu.memory_space<vmem>>
    %dma_wait3A_276 = tpu.memref_squeeze %dma_wait3A_275 : memref<1x1600x16xf32, #tpu.memory_space<vmem>> -> memref<1600x16xf32, #tpu.memory_space<vmem>>
    %dma_wait3A_277 = arith.constant 14400 : i32
    %dma_wait3A_278 = tpu.memref_slice %arg6[%dma_wait3A_277] : memref<25600xi32, #tpu.memory_space<vmem>> -> memref<1600xi32, #tpu.memory_space<vmem>>
    %dma_wait3A_279 = arith.constant 0 : i32
    %dma_wait3A_280 = arith.constant 0 : i32
    %dma_wait3A_281 = tpu.memref_slice %arg3[%dma_wait3A_279, %dma_wait3A_280] : memref<1007616x16xf32, #tpu.memory_space<hbm>> -> memref<1007616x16xf32, #tpu.memory_space<hbm>>
    tpu.wait_indirect_dma semaphore(%arg11 : memref<!tpu.dma_semaphore, #tpu.memory_space<semaphore_mem>>) src(%dma_wait3A_281 : memref<1007616x16xf32, #tpu.memory_space<hbm>>) dst(%dma_wait3A_276 : memref<1600x16xf32, #tpu.memory_space<vmem>>)
    %scan3A_282 = arith.constant 5.000000e-03 : f32
    %scan3A_283 = arith.constant 0 : i32
    %scan3A_284 = arith.constant 0 : i32
    %scan3A_285 = arith.constant 8 : i32
    %scan3A_286 = arith.addi %scan3A_284, %scan3A_285 : i32
    %scan3A_287 = arith.constant 1 : i32
    %scan3A_288 = scf.for %scan3A_450 = %scan3A_284 to %scan3A_286 step %scan3A_287 iter_args(%scan3A_451 = %scan3A_283) -> (i32)  : i32 {
      %broadcast_in_dim3A = arith.constant 0.000000e+00 : f32
      %broadcast_in_dim3A_452 = vector.broadcast %broadcast_in_dim3A : f32 to vector<16xf32>
      %scan3A_453 = arith.constant 0 : i32
      %scan3A_454 = arith.constant 50 : i32
      %scan3A_455 = arith.addi %scan3A_453, %scan3A_454 : i32
      %scan3A_456 = arith.constant 1 : i32
      %scan3A_457:4 = scf.for %scan3A_472 = %scan3A_453 to %scan3A_455 step %scan3A_456 iter_args(%scan3A_473 = %broadcast_in_dim3A_452, %scan3A_474 = %broadcast_in_dim3A_452, %scan3A_475 = %broadcast_in_dim3A_452, %scan3A_476 = %broadcast_in_dim3A_452) -> (vector<16xf32>, vector<16xf32>, vector<16xf32>, vector<16xf32>)  : i32 {
        %mul3A_477 = arith.constant 200 : i32
        %mul3A_478 = arith.muli %scan3A_450, %mul3A_477 : i32
        %mul3A_479 = arith.constant 4 : i32
        %mul3A_480 = arith.muli %mul3A_479, %scan3A_472 : i32
        %add3A_481 = arith.addi %mul3A_478, %mul3A_480 : i32
        %get3A_482 = arith.constant 1 : i32
        %get3A_483 = arith.index_cast %get3A_482 : i32 to index
        %get3A_484 = arith.index_cast %add3A_481 : i32 to index
        %get3A_485 = arith.constant 0 : index
        %get3A_486 = tpu.vector_load %arg7[%get3A_483, %get3A_484, %get3A_485] {strides = array<i32>} : memref<2x1600x16xf32, #tpu.memory_space<vmem>>, vector<1x1x16xf32>,
        %get3A_487 = vector.shape_cast %get3A_486 : vector<1x1x16xf32> to vector<16xf32>
        %add3A_488 = arith.addf %scan3A_473, %get3A_487 : vector<16xf32>
        %add3A_489 = arith.constant 1 : i32
        %add3A_490 = arith.addi %add3A_481, %add3A_489 : i32
        %get3A_491 = arith.constant 1 : i32
        %get3A_492 = arith.index_cast %get3A_491 : i32 to index
        %get3A_493 = arith.index_cast %add3A_490 : i32 to index
        %get3A_494 = arith.constant 0 : index
        %get3A_495 = tpu.vector_load %arg7[%get3A_492, %get3A_493, %get3A_494] {strides = array<i32>} : memref<2x1600x16xf32, #tpu.memory_space<vmem>>, vector<1x1x16xf32>,
        %get3A_496 = vector.shape_cast %get3A_495 : vector<1x1x16xf32> to vector<16xf32>
        %add3A_497 = arith.addf %scan3A_474, %get3A_496 : vector<16xf32>
        %add3A_498 = arith.constant 2 : i32
        %add3A_499 = arith.addi %add3A_481, %add3A_498 : i32
        %get3A_500 = arith.constant 1 : i32
        %get3A_501 = arith.index_cast %get3A_500 : i32 to index
        %get3A_502 = arith.index_cast %add3A_499 : i32 to index
        %get3A_503 = arith.constant 0 : index
        %get3A_504 = tpu.vector_load %arg7[%get3A_501, %get3A_502, %get3A_503] {strides = array<i32>} : memref<2x1600x16xf32, #tpu.memory_space<vmem>>, vector<1x1x16xf32>,
        %get3A_505 = vector.shape_cast %get3A_504 : vector<1x1x16xf32> to vector<16xf32>
        %add3A_506 = arith.addf %scan3A_475, %get3A_505 : vector<16xf32>
        %add3A_507 = arith.constant 3 : i32
        %add3A_508 = arith.addi %add3A_481, %add3A_507 : i32
        %get3A_509 = arith.constant 1 : i32
        %get3A_510 = arith.index_cast %get3A_509 : i32 to index
        %get3A_511 = arith.index_cast %add3A_508 : i32 to index
        %get3A_512 = arith.constant 0 : index
        %get3A_513 = tpu.vector_load %arg7[%get3A_510, %get3A_511, %get3A_512] {strides = array<i32>} : memref<2x1600x16xf32, #tpu.memory_space<vmem>>, vector<1x1x16xf32>,
        %get3A_514 = vector.shape_cast %get3A_513 : vector<1x1x16xf32> to vector<16xf32>
        %add3A_515 = arith.addf %scan3A_476, %get3A_514 : vector<16xf32>
        scf.yield %add3A_488, %add3A_497, %add3A_506, %add3A_515 : vector<16xf32>, vector<16xf32>, vector<16xf32>, vector<16xf32>
      }
      %scan3A_458 = arith.constant 50 : i32
      %add3A_459 = arith.addf %scan3A_457#0, %scan3A_457#1 : vector<16xf32>
      %add3A_460 = arith.addf %scan3A_457#2, %scan3A_457#3 : vector<16xf32>
      %add3A_461 = arith.addf %add3A_459, %add3A_460 : vector<16xf32>
      %mul3A_462 = vector.broadcast %scan3A_282 : f32 to vector<16xf32>
      %mul3A_463 = arith.mulf %add3A_461, %mul3A_462 : vector<16xf32>
      %add3A_464 = arith.addf %mul3A_463, %get3A_2 : vector<16xf32>
      %add3A_465 = arith.constant 72 : i32
      %add3A_466 = arith.addi %add3A_465, %scan3A_450 : i32
      %swap3A = arith.index_cast %add3A_466 : i32 to index
      %swap3A_467 = arith.constant 0 : index
      %swap3A_468 = tpu.vector_load %arg8[%swap3A, %swap3A_467] {strides = array<i32>} : memref<128x16xf32, #tpu.memory_space<vmem>>, vector<1x16xf32>,
      %swap3A_469 = vector.shape_cast %swap3A_468 : vector<1x16xf32> to vector<16xf32>
      %swap3A_470 = vector.shape_cast %add3A_464 : vector<16xf32> to vector<1x16xf32>
      tpu.vector_store %arg8[%swap3A, %swap3A_467], %swap3A_470 {strides = array<i32>} : memref<128x16xf32, #tpu.memory_space<vmem>>, vector<1x16xf32>,
      %scan3A_471 = arith.constant 0 : i32
      scf.yield %scan3A_471 : i32
    }
    %scan3A_289 = arith.constant 8 : i32
    %dma_start3A_290 = arith.constant 1 : i32
    %dma_start3A_291 = arith.constant 0 : i32
    %dma_start3A_292 = arith.constant 0 : i32
    %dma_start3A_293 = tpu.memref_slice %arg7[%dma_start3A_290, %dma_start3A_291, %dma_start3A_292] : memref<2x1600x16xf32, #tpu.memory_space<vmem>> -> memref<1x1600x16xf32, #tpu.memory_space<vmem>>
    %dma_start3A_294 = tpu.memref_squeeze %dma_start3A_293 : memref<1x1600x16xf32, #tpu.memory_space<vmem>> -> memref<1600x16xf32, #tpu.memory_space<vmem>>
    %dma_start3A_295 = arith.constant 17600 : i32
    %dma_start3A_296 = tpu.memref_slice %arg6[%dma_start3A_295] : memref<25600xi32, #tpu.memory_space<vmem>> -> memref<1600xi32, #tpu.memory_space<vmem>>
    %dma_start3A_297 = arith.constant 0 : i32
    %dma_start3A_298 = arith.constant 0 : i32
    %dma_start3A_299 = tpu.memref_slice %arg3[%dma_start3A_297, %dma_start3A_298] : memref<1007616x16xf32, #tpu.memory_space<hbm>> -> memref<1007616x16xf32, #tpu.memory_space<hbm>>
    tpu.enqueue_indirect_dma source(%dma_start3A_299 : memref<1007616x16xf32, #tpu.memory_space<hbm>>) target(%dma_start3A_294 : memref<1600x16xf32, #tpu.memory_space<vmem>>) offsets(%dma_start3A_296 : memref<1600xi32, #tpu.memory_space<vmem>>) semaphore(%arg11 : memref<!tpu.dma_semaphore, #tpu.memory_space<semaphore_mem>>)
    %dma_wait3A_300 = arith.constant 0 : i32
    %dma_wait3A_301 = arith.constant 0 : i32
    %dma_wait3A_302 = arith.constant 0 : i32
    %dma_wait3A_303 = tpu.memref_slice %arg7[%dma_wait3A_300, %dma_wait3A_301, %dma_wait3A_302] : memref<2x1600x16xf32, #tpu.memory_space<vmem>> -> memref<1x1600x16xf32, #tpu.memory_space<vmem>>
    %dma_wait3A_304 = tpu.memref_squeeze %dma_wait3A_303 : memref<1x1600x16xf32, #tpu.memory_space<vmem>> -> memref<1600x16xf32, #tpu.memory_space<vmem>>
    %dma_wait3A_305 = arith.constant 16000 : i32
    %dma_wait3A_306 = tpu.memref_slice %arg6[%dma_wait3A_305] : memref<25600xi32, #tpu.memory_space<vmem>> -> memref<1600xi32, #tpu.memory_space<vmem>>
    %dma_wait3A_307 = arith.constant 0 : i32
    %dma_wait3A_308 = arith.constant 0 : i32
    %dma_wait3A_309 = tpu.memref_slice %arg3[%dma_wait3A_307, %dma_wait3A_308] : memref<1007616x16xf32, #tpu.memory_space<hbm>> -> memref<1007616x16xf32, #tpu.memory_space<hbm>>
    tpu.wait_indirect_dma semaphore(%arg10 : memref<!tpu.dma_semaphore, #tpu.memory_space<semaphore_mem>>) src(%dma_wait3A_309 : memref<1007616x16xf32, #tpu.memory_space<hbm>>) dst(%dma_wait3A_304 : memref<1600x16xf32, #tpu.memory_space<vmem>>)
    %scan3A_310 = arith.constant 5.000000e-03 : f32
    %scan3A_311 = arith.constant 0 : i32
    %scan3A_312 = arith.constant 0 : i32
    %scan3A_313 = arith.constant 8 : i32
    %scan3A_314 = arith.addi %scan3A_312, %scan3A_313 : i32
    %scan3A_315 = arith.constant 1 : i32
    %scan3A_316 = scf.for %scan3A_450 = %scan3A_312 to %scan3A_314 step %scan3A_315 iter_args(%scan3A_451 = %scan3A_311) -> (i32)  : i32 {
      %broadcast_in_dim3A = arith.constant 0.000000e+00 : f32
      %broadcast_in_dim3A_452 = vector.broadcast %broadcast_in_dim3A : f32 to vector<16xf32>
      %scan3A_453 = arith.constant 0 : i32
      %scan3A_454 = arith.constant 50 : i32
      %scan3A_455 = arith.addi %scan3A_453, %scan3A_454 : i32
      %scan3A_456 = arith.constant 1 : i32
      %scan3A_457:4 = scf.for %scan3A_472 = %scan3A_453 to %scan3A_455 step %scan3A_456 iter_args(%scan3A_473 = %broadcast_in_dim3A_452, %scan3A_474 = %broadcast_in_dim3A_452, %scan3A_475 = %broadcast_in_dim3A_452, %scan3A_476 = %broadcast_in_dim3A_452) -> (vector<16xf32>, vector<16xf32>, vector<16xf32>, vector<16xf32>)  : i32 {
        %mul3A_477 = arith.constant 200 : i32
        %mul3A_478 = arith.muli %scan3A_450, %mul3A_477 : i32
        %mul3A_479 = arith.constant 4 : i32
        %mul3A_480 = arith.muli %mul3A_479, %scan3A_472 : i32
        %add3A_481 = arith.addi %mul3A_478, %mul3A_480 : i32
        %get3A_482 = arith.constant 0 : i32
        %get3A_483 = arith.index_cast %get3A_482 : i32 to index
        %get3A_484 = arith.index_cast %add3A_481 : i32 to index
        %get3A_485 = arith.constant 0 : index
        %get3A_486 = tpu.vector_load %arg7[%get3A_483, %get3A_484, %get3A_485] {strides = array<i32>} : memref<2x1600x16xf32, #tpu.memory_space<vmem>>, vector<1x1x16xf32>,
        %get3A_487 = vector.shape_cast %get3A_486 : vector<1x1x16xf32> to vector<16xf32>
        %add3A_488 = arith.addf %scan3A_473, %get3A_487 : vector<16xf32>
        %add3A_489 = arith.constant 1 : i32
        %add3A_490 = arith.addi %add3A_481, %add3A_489 : i32
        %get3A_491 = arith.constant 0 : i32
        %get3A_492 = arith.index_cast %get3A_491 : i32 to index
        %get3A_493 = arith.index_cast %add3A_490 : i32 to index
        %get3A_494 = arith.constant 0 : index
        %get3A_495 = tpu.vector_load %arg7[%get3A_492, %get3A_493, %get3A_494] {strides = array<i32>} : memref<2x1600x16xf32, #tpu.memory_space<vmem>>, vector<1x1x16xf32>,
        %get3A_496 = vector.shape_cast %get3A_495 : vector<1x1x16xf32> to vector<16xf32>
        %add3A_497 = arith.addf %scan3A_474, %get3A_496 : vector<16xf32>
        %add3A_498 = arith.constant 2 : i32
        %add3A_499 = arith.addi %add3A_481, %add3A_498 : i32
        %get3A_500 = arith.constant 0 : i32
        %get3A_501 = arith.index_cast %get3A_500 : i32 to index
        %get3A_502 = arith.index_cast %add3A_499 : i32 to index
        %get3A_503 = arith.constant 0 : index
        %get3A_504 = tpu.vector_load %arg7[%get3A_501, %get3A_502, %get3A_503] {strides = array<i32>} : memref<2x1600x16xf32, #tpu.memory_space<vmem>>, vector<1x1x16xf32>,
        %get3A_505 = vector.shape_cast %get3A_504 : vector<1x1x16xf32> to vector<16xf32>
        %add3A_506 = arith.addf %scan3A_475, %get3A_505 : vector<16xf32>
        %add3A_507 = arith.constant 3 : i32
        %add3A_508 = arith.addi %add3A_481, %add3A_507 : i32
        %get3A_509 = arith.constant 0 : i32
        %get3A_510 = arith.index_cast %get3A_509 : i32 to index
        %get3A_511 = arith.index_cast %add3A_508 : i32 to index
        %get3A_512 = arith.constant 0 : index
        %get3A_513 = tpu.vector_load %arg7[%get3A_510, %get3A_511, %get3A_512] {strides = array<i32>} : memref<2x1600x16xf32, #tpu.memory_space<vmem>>, vector<1x1x16xf32>,
        %get3A_514 = vector.shape_cast %get3A_513 : vector<1x1x16xf32> to vector<16xf32>
        %add3A_515 = arith.addf %scan3A_476, %get3A_514 : vector<16xf32>
        scf.yield %add3A_488, %add3A_497, %add3A_506, %add3A_515 : vector<16xf32>, vector<16xf32>, vector<16xf32>, vector<16xf32>
      }
      %scan3A_458 = arith.constant 50 : i32
      %add3A_459 = arith.addf %scan3A_457#0, %scan3A_457#1 : vector<16xf32>
      %add3A_460 = arith.addf %scan3A_457#2, %scan3A_457#3 : vector<16xf32>
      %add3A_461 = arith.addf %add3A_459, %add3A_460 : vector<16xf32>
      %mul3A_462 = vector.broadcast %scan3A_310 : f32 to vector<16xf32>
      %mul3A_463 = arith.mulf %add3A_461, %mul3A_462 : vector<16xf32>
      %add3A_464 = arith.addf %mul3A_463, %get3A_2 : vector<16xf32>
      %add3A_465 = arith.constant 80 : i32
      %add3A_466 = arith.addi %add3A_465, %scan3A_450 : i32
      %swap3A = arith.index_cast %add3A_466 : i32 to index
      %swap3A_467 = arith.constant 0 : index
      %swap3A_468 = tpu.vector_load %arg8[%swap3A, %swap3A_467] {strides = array<i32>} : memref<128x16xf32, #tpu.memory_space<vmem>>, vector<1x16xf32>,
      %swap3A_469 = vector.shape_cast %swap3A_468 : vector<1x16xf32> to vector<16xf32>
      %swap3A_470 = vector.shape_cast %add3A_464 : vector<16xf32> to vector<1x16xf32>
      tpu.vector_store %arg8[%swap3A, %swap3A_467], %swap3A_470 {strides = array<i32>} : memref<128x16xf32, #tpu.memory_space<vmem>>, vector<1x16xf32>,
      %scan3A_471 = arith.constant 0 : i32
      scf.yield %scan3A_471 : i32
    }
    %scan3A_317 = arith.constant 8 : i32
    %dma_start3A_318 = arith.constant 0 : i32
    %dma_start3A_319 = arith.constant 0 : i32
    %dma_start3A_320 = arith.constant 0 : i32
    %dma_start3A_321 = tpu.memref_slice %arg7[%dma_start3A_318, %dma_start3A_319, %dma_start3A_320] : memref<2x1600x16xf32, #tpu.memory_space<vmem>> -> memref<1x1600x16xf32, #tpu.memory_space<vmem>>
    %dma_start3A_322 = tpu.memref_squeeze %dma_start3A_321 : memref<1x1600x16xf32, #tpu.memory_space<vmem>> -> memref<1600x16xf32, #tpu.memory_space<vmem>>
    %dma_start3A_323 = arith.constant 19200 : i32
    %dma_start3A_324 = tpu.memref_slice %arg6[%dma_start3A_323] : memref<25600xi32, #tpu.memory_space<vmem>> -> memref<1600xi32, #tpu.memory_space<vmem>>
    %dma_start3A_325 = arith.constant 0 : i32
    %dma_start3A_326 = arith.constant 0 : i32
    %dma_start3A_327 = tpu.memref_slice %arg3[%dma_start3A_325, %dma_start3A_326] : memref<1007616x16xf32, #tpu.memory_space<hbm>> -> memref<1007616x16xf32, #tpu.memory_space<hbm>>
    tpu.enqueue_indirect_dma source(%dma_start3A_327 : memref<1007616x16xf32, #tpu.memory_space<hbm>>) target(%dma_start3A_322 : memref<1600x16xf32, #tpu.memory_space<vmem>>) offsets(%dma_start3A_324 : memref<1600xi32, #tpu.memory_space<vmem>>) semaphore(%arg10 : memref<!tpu.dma_semaphore, #tpu.memory_space<semaphore_mem>>)
    %dma_wait3A_328 = arith.constant 1 : i32
    %dma_wait3A_329 = arith.constant 0 : i32
    %dma_wait3A_330 = arith.constant 0 : i32
    %dma_wait3A_331 = tpu.memref_slice %arg7[%dma_wait3A_328, %dma_wait3A_329, %dma_wait3A_330] : memref<2x1600x16xf32, #tpu.memory_space<vmem>> -> memref<1x1600x16xf32, #tpu.memory_space<vmem>>
    %dma_wait3A_332 = tpu.memref_squeeze %dma_wait3A_331 : memref<1x1600x16xf32, #tpu.memory_space<vmem>> -> memref<1600x16xf32, #tpu.memory_space<vmem>>
    %dma_wait3A_333 = arith.constant 17600 : i32
    %dma_wait3A_334 = tpu.memref_slice %arg6[%dma_wait3A_333] : memref<25600xi32, #tpu.memory_space<vmem>> -> memref<1600xi32, #tpu.memory_space<vmem>>
    %dma_wait3A_335 = arith.constant 0 : i32
    %dma_wait3A_336 = arith.constant 0 : i32
    %dma_wait3A_337 = tpu.memref_slice %arg3[%dma_wait3A_335, %dma_wait3A_336] : memref<1007616x16xf32, #tpu.memory_space<hbm>> -> memref<1007616x16xf32, #tpu.memory_space<hbm>>
    tpu.wait_indirect_dma semaphore(%arg11 : memref<!tpu.dma_semaphore, #tpu.memory_space<semaphore_mem>>) src(%dma_wait3A_337 : memref<1007616x16xf32, #tpu.memory_space<hbm>>) dst(%dma_wait3A_332 : memref<1600x16xf32, #tpu.memory_space<vmem>>)
    %scan3A_338 = arith.constant 5.000000e-03 : f32
    %scan3A_339 = arith.constant 0 : i32
    %scan3A_340 = arith.constant 0 : i32
    %scan3A_341 = arith.constant 8 : i32
    %scan3A_342 = arith.addi %scan3A_340, %scan3A_341 : i32
    %scan3A_343 = arith.constant 1 : i32
    %scan3A_344 = scf.for %scan3A_450 = %scan3A_340 to %scan3A_342 step %scan3A_343 iter_args(%scan3A_451 = %scan3A_339) -> (i32)  : i32 {
      %broadcast_in_dim3A = arith.constant 0.000000e+00 : f32
      %broadcast_in_dim3A_452 = vector.broadcast %broadcast_in_dim3A : f32 to vector<16xf32>
      %scan3A_453 = arith.constant 0 : i32
      %scan3A_454 = arith.constant 50 : i32
      %scan3A_455 = arith.addi %scan3A_453, %scan3A_454 : i32
      %scan3A_456 = arith.constant 1 : i32
      %scan3A_457:4 = scf.for %scan3A_472 = %scan3A_453 to %scan3A_455 step %scan3A_456 iter_args(%scan3A_473 = %broadcast_in_dim3A_452, %scan3A_474 = %broadcast_in_dim3A_452, %scan3A_475 = %broadcast_in_dim3A_452, %scan3A_476 = %broadcast_in_dim3A_452) -> (vector<16xf32>, vector<16xf32>, vector<16xf32>, vector<16xf32>)  : i32 {
        %mul3A_477 = arith.constant 200 : i32
        %mul3A_478 = arith.muli %scan3A_450, %mul3A_477 : i32
        %mul3A_479 = arith.constant 4 : i32
        %mul3A_480 = arith.muli %mul3A_479, %scan3A_472 : i32
        %add3A_481 = arith.addi %mul3A_478, %mul3A_480 : i32
        %get3A_482 = arith.constant 1 : i32
        %get3A_483 = arith.index_cast %get3A_482 : i32 to index
        %get3A_484 = arith.index_cast %add3A_481 : i32 to index
        %get3A_485 = arith.constant 0 : index
        %get3A_486 = tpu.vector_load %arg7[%get3A_483, %get3A_484, %get3A_485] {strides = array<i32>} : memref<2x1600x16xf32, #tpu.memory_space<vmem>>, vector<1x1x16xf32>,
        %get3A_487 = vector.shape_cast %get3A_486 : vector<1x1x16xf32> to vector<16xf32>
        %add3A_488 = arith.addf %scan3A_473, %get3A_487 : vector<16xf32>
        %add3A_489 = arith.constant 1 : i32
        %add3A_490 = arith.addi %add3A_481, %add3A_489 : i32
        %get3A_491 = arith.constant 1 : i32
        %get3A_492 = arith.index_cast %get3A_491 : i32 to index
        %get3A_493 = arith.index_cast %add3A_490 : i32 to index
        %get3A_494 = arith.constant 0 : index
        %get3A_495 = tpu.vector_load %arg7[%get3A_492, %get3A_493, %get3A_494] {strides = array<i32>} : memref<2x1600x16xf32, #tpu.memory_space<vmem>>, vector<1x1x16xf32>,
        %get3A_496 = vector.shape_cast %get3A_495 : vector<1x1x16xf32> to vector<16xf32>
        %add3A_497 = arith.addf %scan3A_474, %get3A_496 : vector<16xf32>
        %add3A_498 = arith.constant 2 : i32
        %add3A_499 = arith.addi %add3A_481, %add3A_498 : i32
        %get3A_500 = arith.constant 1 : i32
        %get3A_501 = arith.index_cast %get3A_500 : i32 to index
        %get3A_502 = arith.index_cast %add3A_499 : i32 to index
        %get3A_503 = arith.constant 0 : index
        %get3A_504 = tpu.vector_load %arg7[%get3A_501, %get3A_502, %get3A_503] {strides = array<i32>} : memref<2x1600x16xf32, #tpu.memory_space<vmem>>, vector<1x1x16xf32>,
        %get3A_505 = vector.shape_cast %get3A_504 : vector<1x1x16xf32> to vector<16xf32>
        %add3A_506 = arith.addf %scan3A_475, %get3A_505 : vector<16xf32>
        %add3A_507 = arith.constant 3 : i32
        %add3A_508 = arith.addi %add3A_481, %add3A_507 : i32
        %get3A_509 = arith.constant 1 : i32
        %get3A_510 = arith.index_cast %get3A_509 : i32 to index
        %get3A_511 = arith.index_cast %add3A_508 : i32 to index
        %get3A_512 = arith.constant 0 : index
        %get3A_513 = tpu.vector_load %arg7[%get3A_510, %get3A_511, %get3A_512] {strides = array<i32>} : memref<2x1600x16xf32, #tpu.memory_space<vmem>>, vector<1x1x16xf32>,
        %get3A_514 = vector.shape_cast %get3A_513 : vector<1x1x16xf32> to vector<16xf32>
        %add3A_515 = arith.addf %scan3A_476, %get3A_514 : vector<16xf32>
        scf.yield %add3A_488, %add3A_497, %add3A_506, %add3A_515 : vector<16xf32>, vector<16xf32>, vector<16xf32>, vector<16xf32>
      }
      %scan3A_458 = arith.constant 50 : i32
      %add3A_459 = arith.addf %scan3A_457#0, %scan3A_457#1 : vector<16xf32>
      %add3A_460 = arith.addf %scan3A_457#2, %scan3A_457#3 : vector<16xf32>
      %add3A_461 = arith.addf %add3A_459, %add3A_460 : vector<16xf32>
      %mul3A_462 = vector.broadcast %scan3A_338 : f32 to vector<16xf32>
      %mul3A_463 = arith.mulf %add3A_461, %mul3A_462 : vector<16xf32>
      %add3A_464 = arith.addf %mul3A_463, %get3A_2 : vector<16xf32>
      %add3A_465 = arith.constant 88 : i32
      %add3A_466 = arith.addi %add3A_465, %scan3A_450 : i32
      %swap3A = arith.index_cast %add3A_466 : i32 to index
      %swap3A_467 = arith.constant 0 : index
      %swap3A_468 = tpu.vector_load %arg8[%swap3A, %swap3A_467] {strides = array<i32>} : memref<128x16xf32, #tpu.memory_space<vmem>>, vector<1x16xf32>,
      %swap3A_469 = vector.shape_cast %swap3A_468 : vector<1x16xf32> to vector<16xf32>
      %swap3A_470 = vector.shape_cast %add3A_464 : vector<16xf32> to vector<1x16xf32>
      tpu.vector_store %arg8[%swap3A, %swap3A_467], %swap3A_470 {strides = array<i32>} : memref<128x16xf32, #tpu.memory_space<vmem>>, vector<1x16xf32>,
      %scan3A_471 = arith.constant 0 : i32
      scf.yield %scan3A_471 : i32
    }
    %scan3A_345 = arith.constant 8 : i32
    %dma_start3A_346 = arith.constant 1 : i32
    %dma_start3A_347 = arith.constant 0 : i32
    %dma_start3A_348 = arith.constant 0 : i32
    %dma_start3A_349 = tpu.memref_slice %arg7[%dma_start3A_346, %dma_start3A_347, %dma_start3A_348] : memref<2x1600x16xf32, #tpu.memory_space<vmem>> -> memref<1x1600x16xf32, #tpu.memory_space<vmem>>
    %dma_start3A_350 = tpu.memref_squeeze %dma_start3A_349 : memref<1x1600x16xf32, #tpu.memory_space<vmem>> -> memref<1600x16xf32, #tpu.memory_space<vmem>>
    %dma_start3A_351 = arith.constant 20800 : i32
    %dma_start3A_352 = tpu.memref_slice %arg6[%dma_start3A_351] : memref<25600xi32, #tpu.memory_space<vmem>> -> memref<1600xi32, #tpu.memory_space<vmem>>
    %dma_start3A_353 = arith.constant 0 : i32
    %dma_start3A_354 = arith.constant 0 : i32
    %dma_start3A_355 = tpu.memref_slice %arg3[%dma_start3A_353, %dma_start3A_354] : memref<1007616x16xf32, #tpu.memory_space<hbm>> -> memref<1007616x16xf32, #tpu.memory_space<hbm>>
    tpu.enqueue_indirect_dma source(%dma_start3A_355 : memref<1007616x16xf32, #tpu.memory_space<hbm>>) target(%dma_start3A_350 : memref<1600x16xf32, #tpu.memory_space<vmem>>) offsets(%dma_start3A_352 : memref<1600xi32, #tpu.memory_space<vmem>>) semaphore(%arg11 : memref<!tpu.dma_semaphore, #tpu.memory_space<semaphore_mem>>)
    %dma_wait3A_356 = arith.constant 0 : i32
    %dma_wait3A_357 = arith.constant 0 : i32
    %dma_wait3A_358 = arith.constant 0 : i32
    %dma_wait3A_359 = tpu.memref_slice %arg7[%dma_wait3A_356, %dma_wait3A_357, %dma_wait3A_358] : memref<2x1600x16xf32, #tpu.memory_space<vmem>> -> memref<1x1600x16xf32, #tpu.memory_space<vmem>>
    %dma_wait3A_360 = tpu.memref_squeeze %dma_wait3A_359 : memref<1x1600x16xf32, #tpu.memory_space<vmem>> -> memref<1600x16xf32, #tpu.memory_space<vmem>>
    %dma_wait3A_361 = arith.constant 19200 : i32
    %dma_wait3A_362 = tpu.memref_slice %arg6[%dma_wait3A_361] : memref<25600xi32, #tpu.memory_space<vmem>> -> memref<1600xi32, #tpu.memory_space<vmem>>
    %dma_wait3A_363 = arith.constant 0 : i32
    %dma_wait3A_364 = arith.constant 0 : i32
    %dma_wait3A_365 = tpu.memref_slice %arg3[%dma_wait3A_363, %dma_wait3A_364] : memref<1007616x16xf32, #tpu.memory_space<hbm>> -> memref<1007616x16xf32, #tpu.memory_space<hbm>>
    tpu.wait_indirect_dma semaphore(%arg10 : memref<!tpu.dma_semaphore, #tpu.memory_space<semaphore_mem>>) src(%dma_wait3A_365 : memref<1007616x16xf32, #tpu.memory_space<hbm>>) dst(%dma_wait3A_360 : memref<1600x16xf32, #tpu.memory_space<vmem>>)
    %scan3A_366 = arith.constant 5.000000e-03 : f32
    %scan3A_367 = arith.constant 0 : i32
    %scan3A_368 = arith.constant 0 : i32
    %scan3A_369 = arith.constant 8 : i32
    %scan3A_370 = arith.addi %scan3A_368, %scan3A_369 : i32
    %scan3A_371 = arith.constant 1 : i32
    %scan3A_372 = scf.for %scan3A_450 = %scan3A_368 to %scan3A_370 step %scan3A_371 iter_args(%scan3A_451 = %scan3A_367) -> (i32)  : i32 {
      %broadcast_in_dim3A = arith.constant 0.000000e+00 : f32
      %broadcast_in_dim3A_452 = vector.broadcast %broadcast_in_dim3A : f32 to vector<16xf32>
      %scan3A_453 = arith.constant 0 : i32
      %scan3A_454 = arith.constant 50 : i32
      %scan3A_455 = arith.addi %scan3A_453, %scan3A_454 : i32
      %scan3A_456 = arith.constant 1 : i32
      %scan3A_457:4 = scf.for %scan3A_472 = %scan3A_453 to %scan3A_455 step %scan3A_456 iter_args(%scan3A_473 = %broadcast_in_dim3A_452, %scan3A_474 = %broadcast_in_dim3A_452, %scan3A_475 = %broadcast_in_dim3A_452, %scan3A_476 = %broadcast_in_dim3A_452) -> (vector<16xf32>, vector<16xf32>, vector<16xf32>, vector<16xf32>)  : i32 {
        %mul3A_477 = arith.constant 200 : i32
        %mul3A_478 = arith.muli %scan3A_450, %mul3A_477 : i32
        %mul3A_479 = arith.constant 4 : i32
        %mul3A_480 = arith.muli %mul3A_479, %scan3A_472 : i32
        %add3A_481 = arith.addi %mul3A_478, %mul3A_480 : i32
        %get3A_482 = arith.constant 0 : i32
        %get3A_483 = arith.index_cast %get3A_482 : i32 to index
        %get3A_484 = arith.index_cast %add3A_481 : i32 to index
        %get3A_485 = arith.constant 0 : index
        %get3A_486 = tpu.vector_load %arg7[%get3A_483, %get3A_484, %get3A_485] {strides = array<i32>} : memref<2x1600x16xf32, #tpu.memory_space<vmem>>, vector<1x1x16xf32>,
        %get3A_487 = vector.shape_cast %get3A_486 : vector<1x1x16xf32> to vector<16xf32>
        %add3A_488 = arith.addf %scan3A_473, %get3A_487 : vector<16xf32>
        %add3A_489 = arith.constant 1 : i32
        %add3A_490 = arith.addi %add3A_481, %add3A_489 : i32
        %get3A_491 = arith.constant 0 : i32
        %get3A_492 = arith.index_cast %get3A_491 : i32 to index
        %get3A_493 = arith.index_cast %add3A_490 : i32 to index
        %get3A_494 = arith.constant 0 : index
        %get3A_495 = tpu.vector_load %arg7[%get3A_492, %get3A_493, %get3A_494] {strides = array<i32>} : memref<2x1600x16xf32, #tpu.memory_space<vmem>>, vector<1x1x16xf32>,
        %get3A_496 = vector.shape_cast %get3A_495 : vector<1x1x16xf32> to vector<16xf32>
        %add3A_497 = arith.addf %scan3A_474, %get3A_496 : vector<16xf32>
        %add3A_498 = arith.constant 2 : i32
        %add3A_499 = arith.addi %add3A_481, %add3A_498 : i32
        %get3A_500 = arith.constant 0 : i32
        %get3A_501 = arith.index_cast %get3A_500 : i32 to index
        %get3A_502 = arith.index_cast %add3A_499 : i32 to index
        %get3A_503 = arith.constant 0 : index
        %get3A_504 = tpu.vector_load %arg7[%get3A_501, %get3A_502, %get3A_503] {strides = array<i32>} : memref<2x1600x16xf32, #tpu.memory_space<vmem>>, vector<1x1x16xf32>,
        %get3A_505 = vector.shape_cast %get3A_504 : vector<1x1x16xf32> to vector<16xf32>
        %add3A_506 = arith.addf %scan3A_475, %get3A_505 : vector<16xf32>
        %add3A_507 = arith.constant 3 : i32
        %add3A_508 = arith.addi %add3A_481, %add3A_507 : i32
        %get3A_509 = arith.constant 0 : i32
        %get3A_510 = arith.index_cast %get3A_509 : i32 to index
        %get3A_511 = arith.index_cast %add3A_508 : i32 to index
        %get3A_512 = arith.constant 0 : index
        %get3A_513 = tpu.vector_load %arg7[%get3A_510, %get3A_511, %get3A_512] {strides = array<i32>} : memref<2x1600x16xf32, #tpu.memory_space<vmem>>, vector<1x1x16xf32>,
        %get3A_514 = vector.shape_cast %get3A_513 : vector<1x1x16xf32> to vector<16xf32>
        %add3A_515 = arith.addf %scan3A_476, %get3A_514 : vector<16xf32>
        scf.yield %add3A_488, %add3A_497, %add3A_506, %add3A_515 : vector<16xf32>, vector<16xf32>, vector<16xf32>, vector<16xf32>
      }
      %scan3A_458 = arith.constant 50 : i32
      %add3A_459 = arith.addf %scan3A_457#0, %scan3A_457#1 : vector<16xf32>
      %add3A_460 = arith.addf %scan3A_457#2, %scan3A_457#3 : vector<16xf32>
      %add3A_461 = arith.addf %add3A_459, %add3A_460 : vector<16xf32>
      %mul3A_462 = vector.broadcast %scan3A_366 : f32 to vector<16xf32>
      %mul3A_463 = arith.mulf %add3A_461, %mul3A_462 : vector<16xf32>
      %add3A_464 = arith.addf %mul3A_463, %get3A_2 : vector<16xf32>
      %add3A_465 = arith.constant 96 : i32
      %add3A_466 = arith.addi %add3A_465, %scan3A_450 : i32
      %swap3A = arith.index_cast %add3A_466 : i32 to index
      %swap3A_467 = arith.constant 0 : index
      %swap3A_468 = tpu.vector_load %arg8[%swap3A, %swap3A_467] {strides = array<i32>} : memref<128x16xf32, #tpu.memory_space<vmem>>, vector<1x16xf32>,
      %swap3A_469 = vector.shape_cast %swap3A_468 : vector<1x16xf32> to vector<16xf32>
      %swap3A_470 = vector.shape_cast %add3A_464 : vector<16xf32> to vector<1x16xf32>
      tpu.vector_store %arg8[%swap3A, %swap3A_467], %swap3A_470 {strides = array<i32>} : memref<128x16xf32, #tpu.memory_space<vmem>>, vector<1x16xf32>,
      %scan3A_471 = arith.constant 0 : i32
      scf.yield %scan3A_471 : i32
    }
    %scan3A_373 = arith.constant 8 : i32
    %dma_start3A_374 = arith.constant 0 : i32
    %dma_start3A_375 = arith.constant 0 : i32
    %dma_start3A_376 = arith.constant 0 : i32
    %dma_start3A_377 = tpu.memref_slice %arg7[%dma_start3A_374, %dma_start3A_375, %dma_start3A_376] : memref<2x1600x16xf32, #tpu.memory_space<vmem>> -> memref<1x1600x16xf32, #tpu.memory_space<vmem>>
    %dma_start3A_378 = tpu.memref_squeeze %dma_start3A_377 : memref<1x1600x16xf32, #tpu.memory_space<vmem>> -> memref<1600x16xf32, #tpu.memory_space<vmem>>
    %dma_start3A_379 = arith.constant 22400 : i32
    %dma_start3A_380 = tpu.memref_slice %arg6[%dma_start3A_379] : memref<25600xi32, #tpu.memory_space<vmem>> -> memref<1600xi32, #tpu.memory_space<vmem>>
    %dma_start3A_381 = arith.constant 0 : i32
    %dma_start3A_382 = arith.constant 0 : i32
    %dma_start3A_383 = tpu.memref_slice %arg3[%dma_start3A_381, %dma_start3A_382] : memref<1007616x16xf32, #tpu.memory_space<hbm>> -> memref<1007616x16xf32, #tpu.memory_space<hbm>>
    tpu.enqueue_indirect_dma source(%dma_start3A_383 : memref<1007616x16xf32, #tpu.memory_space<hbm>>) target(%dma_start3A_378 : memref<1600x16xf32, #tpu.memory_space<vmem>>) offsets(%dma_start3A_380 : memref<1600xi32, #tpu.memory_space<vmem>>) semaphore(%arg10 : memref<!tpu.dma_semaphore, #tpu.memory_space<semaphore_mem>>)
    %dma_wait3A_384 = arith.constant 1 : i32
    %dma_wait3A_385 = arith.constant 0 : i32
    %dma_wait3A_386 = arith.constant 0 : i32
    %dma_wait3A_387 = tpu.memref_slice %arg7[%dma_wait3A_384, %dma_wait3A_385, %dma_wait3A_386] : memref<2x1600x16xf32, #tpu.memory_space<vmem>> -> memref<1x1600x16xf32, #tpu.memory_space<vmem>>
    %dma_wait3A_388 = tpu.memref_squeeze %dma_wait3A_387 : memref<1x1600x16xf32, #tpu.memory_space<vmem>> -> memref<1600x16xf32, #tpu.memory_space<vmem>>
    %dma_wait3A_389 = arith.constant 20800 : i32
    %dma_wait3A_390 = tpu.memref_slice %arg6[%dma_wait3A_389] : memref<25600xi32, #tpu.memory_space<vmem>> -> memref<1600xi32, #tpu.memory_space<vmem>>
    %dma_wait3A_391 = arith.constant 0 : i32
    %dma_wait3A_392 = arith.constant 0 : i32
    %dma_wait3A_393 = tpu.memref_slice %arg3[%dma_wait3A_391, %dma_wait3A_392] : memref<1007616x16xf32, #tpu.memory_space<hbm>> -> memref<1007616x16xf32, #tpu.memory_space<hbm>>
    tpu.wait_indirect_dma semaphore(%arg11 : memref<!tpu.dma_semaphore, #tpu.memory_space<semaphore_mem>>) src(%dma_wait3A_393 : memref<1007616x16xf32, #tpu.memory_space<hbm>>) dst(%dma_wait3A_388 : memref<1600x16xf32, #tpu.memory_space<vmem>>)
    %scan3A_394 = arith.constant 5.000000e-03 : f32
    %scan3A_395 = arith.constant 0 : i32
    %scan3A_396 = arith.constant 0 : i32
    %scan3A_397 = arith.constant 8 : i32
    %scan3A_398 = arith.addi %scan3A_396, %scan3A_397 : i32
    %scan3A_399 = arith.constant 1 : i32
    %scan3A_400 = scf.for %scan3A_450 = %scan3A_396 to %scan3A_398 step %scan3A_399 iter_args(%scan3A_451 = %scan3A_395) -> (i32)  : i32 {
      %broadcast_in_dim3A = arith.constant 0.000000e+00 : f32
      %broadcast_in_dim3A_452 = vector.broadcast %broadcast_in_dim3A : f32 to vector<16xf32>
      %scan3A_453 = arith.constant 0 : i32
      %scan3A_454 = arith.constant 50 : i32
      %scan3A_455 = arith.addi %scan3A_453, %scan3A_454 : i32
      %scan3A_456 = arith.constant 1 : i32
      %scan3A_457:4 = scf.for %scan3A_472 = %scan3A_453 to %scan3A_455 step %scan3A_456 iter_args(%scan3A_473 = %broadcast_in_dim3A_452, %scan3A_474 = %broadcast_in_dim3A_452, %scan3A_475 = %broadcast_in_dim3A_452, %scan3A_476 = %broadcast_in_dim3A_452) -> (vector<16xf32>, vector<16xf32>, vector<16xf32>, vector<16xf32>)  : i32 {
        %mul3A_477 = arith.constant 200 : i32
        %mul3A_478 = arith.muli %scan3A_450, %mul3A_477 : i32
        %mul3A_479 = arith.constant 4 : i32
        %mul3A_480 = arith.muli %mul3A_479, %scan3A_472 : i32
        %add3A_481 = arith.addi %mul3A_478, %mul3A_480 : i32
        %get3A_482 = arith.constant 1 : i32
        %get3A_483 = arith.index_cast %get3A_482 : i32 to index
        %get3A_484 = arith.index_cast %add3A_481 : i32 to index
        %get3A_485 = arith.constant 0 : index
        %get3A_486 = tpu.vector_load %arg7[%get3A_483, %get3A_484, %get3A_485] {strides = array<i32>} : memref<2x1600x16xf32, #tpu.memory_space<vmem>>, vector<1x1x16xf32>,
        %get3A_487 = vector.shape_cast %get3A_486 : vector<1x1x16xf32> to vector<16xf32>
        %add3A_488 = arith.addf %scan3A_473, %get3A_487 : vector<16xf32>
        %add3A_489 = arith.constant 1 : i32
        %add3A_490 = arith.addi %add3A_481, %add3A_489 : i32
        %get3A_491 = arith.constant 1 : i32
        %get3A_492 = arith.index_cast %get3A_491 : i32 to index
        %get3A_493 = arith.index_cast %add3A_490 : i32 to index
        %get3A_494 = arith.constant 0 : index
        %get3A_495 = tpu.vector_load %arg7[%get3A_492, %get3A_493, %get3A_494] {strides = array<i32>} : memref<2x1600x16xf32, #tpu.memory_space<vmem>>, vector<1x1x16xf32>,
        %get3A_496 = vector.shape_cast %get3A_495 : vector<1x1x16xf32> to vector<16xf32>
        %add3A_497 = arith.addf %scan3A_474, %get3A_496 : vector<16xf32>
        %add3A_498 = arith.constant 2 : i32
        %add3A_499 = arith.addi %add3A_481, %add3A_498 : i32
        %get3A_500 = arith.constant 1 : i32
        %get3A_501 = arith.index_cast %get3A_500 : i32 to index
        %get3A_502 = arith.index_cast %add3A_499 : i32 to index
        %get3A_503 = arith.constant 0 : index
        %get3A_504 = tpu.vector_load %arg7[%get3A_501, %get3A_502, %get3A_503] {strides = array<i32>} : memref<2x1600x16xf32, #tpu.memory_space<vmem>>, vector<1x1x16xf32>,
        %get3A_505 = vector.shape_cast %get3A_504 : vector<1x1x16xf32> to vector<16xf32>
        %add3A_506 = arith.addf %scan3A_475, %get3A_505 : vector<16xf32>
        %add3A_507 = arith.constant 3 : i32
        %add3A_508 = arith.addi %add3A_481, %add3A_507 : i32
        %get3A_509 = arith.constant 1 : i32
        %get3A_510 = arith.index_cast %get3A_509 : i32 to index
        %get3A_511 = arith.index_cast %add3A_508 : i32 to index
        %get3A_512 = arith.constant 0 : index
        %get3A_513 = tpu.vector_load %arg7[%get3A_510, %get3A_511, %get3A_512] {strides = array<i32>} : memref<2x1600x16xf32, #tpu.memory_space<vmem>>, vector<1x1x16xf32>,
        %get3A_514 = vector.shape_cast %get3A_513 : vector<1x1x16xf32> to vector<16xf32>
        %add3A_515 = arith.addf %scan3A_476, %get3A_514 : vector<16xf32>
        scf.yield %add3A_488, %add3A_497, %add3A_506, %add3A_515 : vector<16xf32>, vector<16xf32>, vector<16xf32>, vector<16xf32>
      }
      %scan3A_458 = arith.constant 50 : i32
      %add3A_459 = arith.addf %scan3A_457#0, %scan3A_457#1 : vector<16xf32>
      %add3A_460 = arith.addf %scan3A_457#2, %scan3A_457#3 : vector<16xf32>
      %add3A_461 = arith.addf %add3A_459, %add3A_460 : vector<16xf32>
      %mul3A_462 = vector.broadcast %scan3A_394 : f32 to vector<16xf32>
      %mul3A_463 = arith.mulf %add3A_461, %mul3A_462 : vector<16xf32>
      %add3A_464 = arith.addf %mul3A_463, %get3A_2 : vector<16xf32>
      %add3A_465 = arith.constant 104 : i32
      %add3A_466 = arith.addi %add3A_465, %scan3A_450 : i32
      %swap3A = arith.index_cast %add3A_466 : i32 to index
      %swap3A_467 = arith.constant 0 : index
      %swap3A_468 = tpu.vector_load %arg8[%swap3A, %swap3A_467] {strides = array<i32>} : memref<128x16xf32, #tpu.memory_space<vmem>>, vector<1x16xf32>,
      %swap3A_469 = vector.shape_cast %swap3A_468 : vector<1x16xf32> to vector<16xf32>
      %swap3A_470 = vector.shape_cast %add3A_464 : vector<16xf32> to vector<1x16xf32>
      tpu.vector_store %arg8[%swap3A, %swap3A_467], %swap3A_470 {strides = array<i32>} : memref<128x16xf32, #tpu.memory_space<vmem>>, vector<1x16xf32>,
      %scan3A_471 = arith.constant 0 : i32
      scf.yield %scan3A_471 : i32
    }
    %scan3A_401 = arith.constant 8 : i32
    %dma_start3A_402 = arith.constant 1 : i32
    %dma_start3A_403 = arith.constant 0 : i32
    %dma_start3A_404 = arith.constant 0 : i32
    %dma_start3A_405 = tpu.memref_slice %arg7[%dma_start3A_402, %dma_start3A_403, %dma_start3A_404] : memref<2x1600x16xf32, #tpu.memory_space<vmem>> -> memref<1x1600x16xf32, #tpu.memory_space<vmem>>
    %dma_start3A_406 = tpu.memref_squeeze %dma_start3A_405 : memref<1x1600x16xf32, #tpu.memory_space<vmem>> -> memref<1600x16xf32, #tpu.memory_space<vmem>>
    %dma_start3A_407 = arith.constant 24000 : i32
    %dma_start3A_408 = tpu.memref_slice %arg6[%dma_start3A_407] : memref<25600xi32, #tpu.memory_space<vmem>> -> memref<1600xi32, #tpu.memory_space<vmem>>
    %dma_start3A_409 = arith.constant 0 : i32
    %dma_start3A_410 = arith.constant 0 : i32
    %dma_start3A_411 = tpu.memref_slice %arg3[%dma_start3A_409, %dma_start3A_410] : memref<1007616x16xf32, #tpu.memory_space<hbm>> -> memref<1007616x16xf32, #tpu.memory_space<hbm>>
    tpu.enqueue_indirect_dma source(%dma_start3A_411 : memref<1007616x16xf32, #tpu.memory_space<hbm>>) target(%dma_start3A_406 : memref<1600x16xf32, #tpu.memory_space<vmem>>) offsets(%dma_start3A_408 : memref<1600xi32, #tpu.memory_space<vmem>>) semaphore(%arg11 : memref<!tpu.dma_semaphore, #tpu.memory_space<semaphore_mem>>)
    %dma_wait3A_412 = arith.constant 0 : i32
    %dma_wait3A_413 = arith.constant 0 : i32
    %dma_wait3A_414 = arith.constant 0 : i32
    %dma_wait3A_415 = tpu.memref_slice %arg7[%dma_wait3A_412, %dma_wait3A_413, %dma_wait3A_414] : memref<2x1600x16xf32, #tpu.memory_space<vmem>> -> memref<1x1600x16xf32, #tpu.memory_space<vmem>>
    %dma_wait3A_416 = tpu.memref_squeeze %dma_wait3A_415 : memref<1x1600x16xf32, #tpu.memory_space<vmem>> -> memref<1600x16xf32, #tpu.memory_space<vmem>>
    %dma_wait3A_417 = arith.constant 22400 : i32
    %dma_wait3A_418 = tpu.memref_slice %arg6[%dma_wait3A_417] : memref<25600xi32, #tpu.memory_space<vmem>> -> memref<1600xi32, #tpu.memory_space<vmem>>
    %dma_wait3A_419 = arith.constant 0 : i32
    %dma_wait3A_420 = arith.constant 0 : i32
    %dma_wait3A_421 = tpu.memref_slice %arg3[%dma_wait3A_419, %dma_wait3A_420] : memref<1007616x16xf32, #tpu.memory_space<hbm>> -> memref<1007616x16xf32, #tpu.memory_space<hbm>>
    tpu.wait_indirect_dma semaphore(%arg10 : memref<!tpu.dma_semaphore, #tpu.memory_space<semaphore_mem>>) src(%dma_wait3A_421 : memref<1007616x16xf32, #tpu.memory_space<hbm>>) dst(%dma_wait3A_416 : memref<1600x16xf32, #tpu.memory_space<vmem>>)
    %scan3A_422 = arith.constant 5.000000e-03 : f32
    %scan3A_423 = arith.constant 0 : i32
    %scan3A_424 = arith.constant 0 : i32
    %scan3A_425 = arith.constant 8 : i32
    %scan3A_426 = arith.addi %scan3A_424, %scan3A_425 : i32
    %scan3A_427 = arith.constant 1 : i32
    %scan3A_428 = scf.for %scan3A_450 = %scan3A_424 to %scan3A_426 step %scan3A_427 iter_args(%scan3A_451 = %scan3A_423) -> (i32)  : i32 {
      %broadcast_in_dim3A = arith.constant 0.000000e+00 : f32
      %broadcast_in_dim3A_452 = vector.broadcast %broadcast_in_dim3A : f32 to vector<16xf32>
      %scan3A_453 = arith.constant 0 : i32
      %scan3A_454 = arith.constant 50 : i32
      %scan3A_455 = arith.addi %scan3A_453, %scan3A_454 : i32
      %scan3A_456 = arith.constant 1 : i32
      %scan3A_457:4 = scf.for %scan3A_472 = %scan3A_453 to %scan3A_455 step %scan3A_456 iter_args(%scan3A_473 = %broadcast_in_dim3A_452, %scan3A_474 = %broadcast_in_dim3A_452, %scan3A_475 = %broadcast_in_dim3A_452, %scan3A_476 = %broadcast_in_dim3A_452) -> (vector<16xf32>, vector<16xf32>, vector<16xf32>, vector<16xf32>)  : i32 {
        %mul3A_477 = arith.constant 200 : i32
        %mul3A_478 = arith.muli %scan3A_450, %mul3A_477 : i32
        %mul3A_479 = arith.constant 4 : i32
        %mul3A_480 = arith.muli %mul3A_479, %scan3A_472 : i32
        %add3A_481 = arith.addi %mul3A_478, %mul3A_480 : i32
        %get3A_482 = arith.constant 0 : i32
        %get3A_483 = arith.index_cast %get3A_482 : i32 to index
        %get3A_484 = arith.index_cast %add3A_481 : i32 to index
        %get3A_485 = arith.constant 0 : index
        %get3A_486 = tpu.vector_load %arg7[%get3A_483, %get3A_484, %get3A_485] {strides = array<i32>} : memref<2x1600x16xf32, #tpu.memory_space<vmem>>, vector<1x1x16xf32>,
        %get3A_487 = vector.shape_cast %get3A_486 : vector<1x1x16xf32> to vector<16xf32>
        %add3A_488 = arith.addf %scan3A_473, %get3A_487 : vector<16xf32>
        %add3A_489 = arith.constant 1 : i32
        %add3A_490 = arith.addi %add3A_481, %add3A_489 : i32
        %get3A_491 = arith.constant 0 : i32
        %get3A_492 = arith.index_cast %get3A_491 : i32 to index
        %get3A_493 = arith.index_cast %add3A_490 : i32 to index
        %get3A_494 = arith.constant 0 : index
        %get3A_495 = tpu.vector_load %arg7[%get3A_492, %get3A_493, %get3A_494] {strides = array<i32>} : memref<2x1600x16xf32, #tpu.memory_space<vmem>>, vector<1x1x16xf32>,
        %get3A_496 = vector.shape_cast %get3A_495 : vector<1x1x16xf32> to vector<16xf32>
        %add3A_497 = arith.addf %scan3A_474, %get3A_496 : vector<16xf32>
        %add3A_498 = arith.constant 2 : i32
        %add3A_499 = arith.addi %add3A_481, %add3A_498 : i32
        %get3A_500 = arith.constant 0 : i32
        %get3A_501 = arith.index_cast %get3A_500 : i32 to index
        %get3A_502 = arith.index_cast %add3A_499 : i32 to index
        %get3A_503 = arith.constant 0 : index
        %get3A_504 = tpu.vector_load %arg7[%get3A_501, %get3A_502, %get3A_503] {strides = array<i32>} : memref<2x1600x16xf32, #tpu.memory_space<vmem>>, vector<1x1x16xf32>,
        %get3A_505 = vector.shape_cast %get3A_504 : vector<1x1x16xf32> to vector<16xf32>
        %add3A_506 = arith.addf %scan3A_475, %get3A_505 : vector<16xf32>
        %add3A_507 = arith.constant 3 : i32
        %add3A_508 = arith.addi %add3A_481, %add3A_507 : i32
        %get3A_509 = arith.constant 0 : i32
        %get3A_510 = arith.index_cast %get3A_509 : i32 to index
        %get3A_511 = arith.index_cast %add3A_508 : i32 to index
        %get3A_512 = arith.constant 0 : index
        %get3A_513 = tpu.vector_load %arg7[%get3A_510, %get3A_511, %get3A_512] {strides = array<i32>} : memref<2x1600x16xf32, #tpu.memory_space<vmem>>, vector<1x1x16xf32>,
        %get3A_514 = vector.shape_cast %get3A_513 : vector<1x1x16xf32> to vector<16xf32>
        %add3A_515 = arith.addf %scan3A_476, %get3A_514 : vector<16xf32>
        scf.yield %add3A_488, %add3A_497, %add3A_506, %add3A_515 : vector<16xf32>, vector<16xf32>, vector<16xf32>, vector<16xf32>
      }
      %scan3A_458 = arith.constant 50 : i32
      %add3A_459 = arith.addf %scan3A_457#0, %scan3A_457#1 : vector<16xf32>
      %add3A_460 = arith.addf %scan3A_457#2, %scan3A_457#3 : vector<16xf32>
      %add3A_461 = arith.addf %add3A_459, %add3A_460 : vector<16xf32>
      %mul3A_462 = vector.broadcast %scan3A_422 : f32 to vector<16xf32>
      %mul3A_463 = arith.mulf %add3A_461, %mul3A_462 : vector<16xf32>
      %add3A_464 = arith.addf %mul3A_463, %get3A_2 : vector<16xf32>
      %add3A_465 = arith.constant 112 : i32
      %add3A_466 = arith.addi %add3A_465, %scan3A_450 : i32
      %swap3A = arith.index_cast %add3A_466 : i32 to index
      %swap3A_467 = arith.constant 0 : index
      %swap3A_468 = tpu.vector_load %arg8[%swap3A, %swap3A_467] {strides = array<i32>} : memref<128x16xf32, #tpu.memory_space<vmem>>, vector<1x16xf32>,
      %swap3A_469 = vector.shape_cast %swap3A_468 : vector<1x16xf32> to vector<16xf32>
      %swap3A_470 = vector.shape_cast %add3A_464 : vector<16xf32> to vector<1x16xf32>
      tpu.vector_store %arg8[%swap3A, %swap3A_467], %swap3A_470 {strides = array<i32>} : memref<128x16xf32, #tpu.memory_space<vmem>>, vector<1x16xf32>,
      %scan3A_471 = arith.constant 0 : i32
      scf.yield %scan3A_471 : i32
    }
    %scan3A_429 = arith.constant 8 : i32
    %dma_wait3A_430 = arith.constant 1 : i32
    %dma_wait3A_431 = arith.constant 0 : i32
    %dma_wait3A_432 = arith.constant 0 : i32
    %dma_wait3A_433 = tpu.memref_slice %arg7[%dma_wait3A_430, %dma_wait3A_431, %dma_wait3A_432] : memref<2x1600x16xf32, #tpu.memory_space<vmem>> -> memref<1x1600x16xf32, #tpu.memory_space<vmem>>
    %dma_wait3A_434 = tpu.memref_squeeze %dma_wait3A_433 : memref<1x1600x16xf32, #tpu.memory_space<vmem>> -> memref<1600x16xf32, #tpu.memory_space<vmem>>
    %dma_wait3A_435 = arith.constant 24000 : i32
    %dma_wait3A_436 = tpu.memref_slice %arg6[%dma_wait3A_435] : memref<25600xi32, #tpu.memory_space<vmem>> -> memref<1600xi32, #tpu.memory_space<vmem>>
    %dma_wait3A_437 = arith.constant 0 : i32
    %dma_wait3A_438 = arith.constant 0 : i32
    %dma_wait3A_439 = tpu.memref_slice %arg3[%dma_wait3A_437, %dma_wait3A_438] : memref<1007616x16xf32, #tpu.memory_space<hbm>> -> memref<1007616x16xf32, #tpu.memory_space<hbm>>
    tpu.wait_indirect_dma semaphore(%arg11 : memref<!tpu.dma_semaphore, #tpu.memory_space<semaphore_mem>>) src(%dma_wait3A_439 : memref<1007616x16xf32, #tpu.memory_space<hbm>>) dst(%dma_wait3A_434 : memref<1600x16xf32, #tpu.memory_space<vmem>>)
    %scan3A_440 = arith.constant 5.000000e-03 : f32
    %scan3A_441 = arith.constant 0 : i32
    %scan3A_442 = arith.constant 0 : i32
    %scan3A_443 = arith.constant 8 : i32
    %scan3A_444 = arith.addi %scan3A_442, %scan3A_443 : i32
    %scan3A_445 = arith.constant 1 : i32
    %scan3A_446 = scf.for %scan3A_450 = %scan3A_442 to %scan3A_444 step %scan3A_445 iter_args(%scan3A_451 = %scan3A_441) -> (i32)  : i32 {
      %broadcast_in_dim3A = arith.constant 0.000000e+00 : f32
      %broadcast_in_dim3A_452 = vector.broadcast %broadcast_in_dim3A : f32 to vector<16xf32>
      %scan3A_453 = arith.constant 0 : i32
      %scan3A_454 = arith.constant 50 : i32
      %scan3A_455 = arith.addi %scan3A_453, %scan3A_454 : i32
      %scan3A_456 = arith.constant 1 : i32
      %scan3A_457:4 = scf.for %scan3A_472 = %scan3A_453 to %scan3A_455 step %scan3A_456 iter_args(%scan3A_473 = %broadcast_in_dim3A_452, %scan3A_474 = %broadcast_in_dim3A_452, %scan3A_475 = %broadcast_in_dim3A_452, %scan3A_476 = %broadcast_in_dim3A_452) -> (vector<16xf32>, vector<16xf32>, vector<16xf32>, vector<16xf32>)  : i32 {
        %mul3A_477 = arith.constant 200 : i32
        %mul3A_478 = arith.muli %scan3A_450, %mul3A_477 : i32
        %mul3A_479 = arith.constant 4 : i32
        %mul3A_480 = arith.muli %mul3A_479, %scan3A_472 : i32
        %add3A_481 = arith.addi %mul3A_478, %mul3A_480 : i32
        %get3A_482 = arith.constant 1 : i32
        %get3A_483 = arith.index_cast %get3A_482 : i32 to index
        %get3A_484 = arith.index_cast %add3A_481 : i32 to index
        %get3A_485 = arith.constant 0 : index
        %get3A_486 = tpu.vector_load %arg7[%get3A_483, %get3A_484, %get3A_485] {strides = array<i32>} : memref<2x1600x16xf32, #tpu.memory_space<vmem>>, vector<1x1x16xf32>,
        %get3A_487 = vector.shape_cast %get3A_486 : vector<1x1x16xf32> to vector<16xf32>
        %add3A_488 = arith.addf %scan3A_473, %get3A_487 : vector<16xf32>
        %add3A_489 = arith.constant 1 : i32
        %add3A_490 = arith.addi %add3A_481, %add3A_489 : i32
        %get3A_491 = arith.constant 1 : i32
        %get3A_492 = arith.index_cast %get3A_491 : i32 to index
        %get3A_493 = arith.index_cast %add3A_490 : i32 to index
        %get3A_494 = arith.constant 0 : index
        %get3A_495 = tpu.vector_load %arg7[%get3A_492, %get3A_493, %get3A_494] {strides = array<i32>} : memref<2x1600x16xf32, #tpu.memory_space<vmem>>, vector<1x1x16xf32>,
        %get3A_496 = vector.shape_cast %get3A_495 : vector<1x1x16xf32> to vector<16xf32>
        %add3A_497 = arith.addf %scan3A_474, %get3A_496 : vector<16xf32>
        %add3A_498 = arith.constant 2 : i32
        %add3A_499 = arith.addi %add3A_481, %add3A_498 : i32
        %get3A_500 = arith.constant 1 : i32
        %get3A_501 = arith.index_cast %get3A_500 : i32 to index
        %get3A_502 = arith.index_cast %add3A_499 : i32 to index
        %get3A_503 = arith.constant 0 : index
        %get3A_504 = tpu.vector_load %arg7[%get3A_501, %get3A_502, %get3A_503] {strides = array<i32>} : memref<2x1600x16xf32, #tpu.memory_space<vmem>>, vector<1x1x16xf32>,
        %get3A_505 = vector.shape_cast %get3A_504 : vector<1x1x16xf32> to vector<16xf32>
        %add3A_506 = arith.addf %scan3A_475, %get3A_505 : vector<16xf32>
        %add3A_507 = arith.constant 3 : i32
        %add3A_508 = arith.addi %add3A_481, %add3A_507 : i32
        %get3A_509 = arith.constant 1 : i32
        %get3A_510 = arith.index_cast %get3A_509 : i32 to index
        %get3A_511 = arith.index_cast %add3A_508 : i32 to index
        %get3A_512 = arith.constant 0 : index
        %get3A_513 = tpu.vector_load %arg7[%get3A_510, %get3A_511, %get3A_512] {strides = array<i32>} : memref<2x1600x16xf32, #tpu.memory_space<vmem>>, vector<1x1x16xf32>,
        %get3A_514 = vector.shape_cast %get3A_513 : vector<1x1x16xf32> to vector<16xf32>
        %add3A_515 = arith.addf %scan3A_476, %get3A_514 : vector<16xf32>
        scf.yield %add3A_488, %add3A_497, %add3A_506, %add3A_515 : vector<16xf32>, vector<16xf32>, vector<16xf32>, vector<16xf32>
      }
      %scan3A_458 = arith.constant 50 : i32
      %add3A_459 = arith.addf %scan3A_457#0, %scan3A_457#1 : vector<16xf32>
      %add3A_460 = arith.addf %scan3A_457#2, %scan3A_457#3 : vector<16xf32>
      %add3A_461 = arith.addf %add3A_459, %add3A_460 : vector<16xf32>
      %mul3A_462 = vector.broadcast %scan3A_440 : f32 to vector<16xf32>
      %mul3A_463 = arith.mulf %add3A_461, %mul3A_462 : vector<16xf32>
      %add3A_464 = arith.addf %mul3A_463, %get3A_2 : vector<16xf32>
      %add3A_465 = arith.constant 120 : i32
      %add3A_466 = arith.addi %add3A_465, %scan3A_450 : i32
      %swap3A = arith.index_cast %add3A_466 : i32 to index
      %swap3A_467 = arith.constant 0 : index
      %swap3A_468 = tpu.vector_load %arg8[%swap3A, %swap3A_467] {strides = array<i32>} : memref<128x16xf32, #tpu.memory_space<vmem>>, vector<1x16xf32>,
      %swap3A_469 = vector.shape_cast %swap3A_468 : vector<1x16xf32> to vector<16xf32>
      %swap3A_470 = vector.shape_cast %add3A_464 : vector<16xf32> to vector<1x16xf32>
      tpu.vector_store %arg8[%swap3A, %swap3A_467], %swap3A_470 {strides = array<i32>} : memref<128x16xf32, #tpu.memory_space<vmem>>, vector<1x16xf32>,
      %scan3A_471 = arith.constant 0 : i32
      scf.yield %scan3A_471 : i32
    }
    %scan3A_447 = arith.constant 8 : i32
    %mul3A_448 = arith.constant 128 : i32
    %mul3A_449 = arith.muli %add3A, %mul3A_448 : i32
    "tpu.region"() ({
      %run_scoped3A = tpu.sem_alloc : memref<!tpu.dma_semaphore, #tpu.memory_space<semaphore_mem>>
      %dma_start3A_450 = arith.constant 0 : i32
      %dma_start3A_451 = tpu.memref_slice %arg5[%mul3A_449, %dma_start3A_450] : memref<4096x16xf32, #tpu.memory_space<hbm>> -> memref<128x16xf32, #tpu.memory_space<hbm>>
      %dma_start3A_452 = arith.constant 0 : i32
      %dma_start3A_453 = tpu.memref_slice %arg5[%mul3A_449, %dma_start3A_452] : memref<4096x16xf32, #tpu.memory_space<hbm>> -> memref<128x16xf32, #tpu.memory_space<hbm>>
      tpu.enqueue_dma source(%arg8 : memref<128x16xf32, #tpu.memory_space<vmem>>) target(%dma_start3A_453 : memref<128x16xf32, #tpu.memory_space<hbm>>) target_semaphore(%run_scoped3A : memref<!tpu.dma_semaphore, #tpu.memory_space<semaphore_mem>>)
      %dma_wait3A_454 = arith.constant 0 : i32
      %dma_wait3A_455 = tpu.memref_slice %arg5[%mul3A_449, %dma_wait3A_454] : memref<4096x16xf32, #tpu.memory_space<hbm>> -> memref<128x16xf32, #tpu.memory_space<hbm>>
      %dma_wait3A_456 = arith.constant 0 : i32
      %dma_wait3A_457 = tpu.memref_slice %arg5[%mul3A_449, %dma_wait3A_456] : memref<4096x16xf32, #tpu.memory_space<hbm>> -> memref<128x16xf32, #tpu.memory_space<hbm>>
      tpu.wait_dma2 semaphore(%run_scoped3A : memref<!tpu.dma_semaphore, #tpu.memory_space<semaphore_mem>>) src(%arg8 : memref<128x16xf32, #tpu.memory_space<vmem>>) dst(%dma_wait3A_457 : memref<128x16xf32, #tpu.memory_space<hbm>>)
      tpu.yield
    }) : () -> ()
    return
  }
}

module attributes {stable_mosaic.version = 14 : i64} {
  func.func @_proj_body(%arg0: i32, %arg1: memref<64x8192xf32, #tpu.memory_space<vmem>>, %arg2: memref<16x64xf32, #tpu.memory_space<vmem>>, %arg3: memref<131072xf32, #tpu.memory_space<vmem>>) attributes {dimension_semantics = [#tpu.dimension_semantics<arbitrary>], iteration_bounds = array<i64: 123>, scalar_prefetch = 0 : i64, scratch_operands = 0 : i64, tpu.core_type = #tpu.core_type<tc>, window_params = [{transform_indices = @transform_0, window_bounds = array<i64: 64, 8192>}, {pipeline_mode = #tpu.pipeline_mode<synchronous>, transform_indices = @transform_1, window_bounds = array<i64: 16, 64>}, {transform_indices = @transform_2, window_bounds = array<i64: 131072>}]} {
    %get3A = arith.constant 0 : index
    %get3A_0 = arith.constant 0 : index
    %get3A_1 = vector.load %arg1[%get3A, %get3A_0] : memref<64x8192xf32, #tpu.memory_space<vmem>>, vector<64x1024xf32>
    %get3A_2 = arith.constant 0 : index
    %get3A_3 = arith.constant 0 : index
    %get3A_4 = vector.load %arg2[%get3A_2, %get3A_3] : memref<16x64xf32, #tpu.memory_space<vmem>>, vector<16x64xf32>
    %dot_general3A = arith.constant dense<0.000000e+00> : vector<1024x16xf32>
    %dot_general3A_5 = tpu.matmul %get3A_1, %get3A_4, %dot_general3A {dimension_numbers = #tpu.dot_dimension_numbers<[0], [1], [1], [0], [0, 1, 1, 0], [], []>, transpose_lhs_hint = false} : vector<64x1024xf32>, vector<16x64xf32>, vector<1024x16xf32> -> vector<1024x16xf32>
    %get3A_6 = arith.constant 0 : index
    %get3A_7 = arith.constant 1024 : index
    %get3A_8 = vector.load %arg1[%get3A_6, %get3A_7] : memref<64x8192xf32, #tpu.memory_space<vmem>>, vector<64x1024xf32>
    %get3A_9 = arith.constant 0 : index
    %get3A_10 = arith.constant 0 : index
    %get3A_11 = vector.load %arg2[%get3A_9, %get3A_10] : memref<16x64xf32, #tpu.memory_space<vmem>>, vector<16x64xf32>
    %dot_general3A_12 = arith.constant dense<0.000000e+00> : vector<1024x16xf32>
    %dot_general3A_13 = tpu.matmul %get3A_8, %get3A_11, %dot_general3A_12 {dimension_numbers = #tpu.dot_dimension_numbers<[0], [1], [1], [0], [0, 1, 1, 0], [], []>, transpose_lhs_hint = false} : vector<64x1024xf32>, vector<16x64xf32>, vector<1024x16xf32> -> vector<1024x16xf32>
    %get3A_14 = arith.constant 0 : index
    %get3A_15 = arith.constant 2048 : index
    %get3A_16 = vector.load %arg1[%get3A_14, %get3A_15] : memref<64x8192xf32, #tpu.memory_space<vmem>>, vector<64x1024xf32>
    %get3A_17 = arith.constant 0 : index
    %get3A_18 = arith.constant 0 : index
    %get3A_19 = vector.load %arg2[%get3A_17, %get3A_18] : memref<16x64xf32, #tpu.memory_space<vmem>>, vector<16x64xf32>
    %dot_general3A_20 = arith.constant dense<0.000000e+00> : vector<1024x16xf32>
    %dot_general3A_21 = tpu.matmul %get3A_16, %get3A_19, %dot_general3A_20 {dimension_numbers = #tpu.dot_dimension_numbers<[0], [1], [1], [0], [0, 1, 1, 0], [], []>, transpose_lhs_hint = false} : vector<64x1024xf32>, vector<16x64xf32>, vector<1024x16xf32> -> vector<1024x16xf32>
    %get3A_22 = arith.constant 0 : index
    %get3A_23 = arith.constant 3072 : index
    %get3A_24 = vector.load %arg1[%get3A_22, %get3A_23] : memref<64x8192xf32, #tpu.memory_space<vmem>>, vector<64x1024xf32>
    %get3A_25 = arith.constant 0 : index
    %get3A_26 = arith.constant 0 : index
    %get3A_27 = vector.load %arg2[%get3A_25, %get3A_26] : memref<16x64xf32, #tpu.memory_space<vmem>>, vector<16x64xf32>
    %dot_general3A_28 = arith.constant dense<0.000000e+00> : vector<1024x16xf32>
    %dot_general3A_29 = tpu.matmul %get3A_24, %get3A_27, %dot_general3A_28 {dimension_numbers = #tpu.dot_dimension_numbers<[0], [1], [1], [0], [0, 1, 1, 0], [], []>, transpose_lhs_hint = false} : vector<64x1024xf32>, vector<16x64xf32>, vector<1024x16xf32> -> vector<1024x16xf32>
    %get3A_30 = arith.constant 0 : index
    %get3A_31 = arith.constant 4096 : index
    %get3A_32 = vector.load %arg1[%get3A_30, %get3A_31] : memref<64x8192xf32, #tpu.memory_space<vmem>>, vector<64x1024xf32>
    %get3A_33 = arith.constant 0 : index
    %get3A_34 = arith.constant 0 : index
    %get3A_35 = vector.load %arg2[%get3A_33, %get3A_34] : memref<16x64xf32, #tpu.memory_space<vmem>>, vector<16x64xf32>
    %dot_general3A_36 = arith.constant dense<0.000000e+00> : vector<1024x16xf32>
    %dot_general3A_37 = tpu.matmul %get3A_32, %get3A_35, %dot_general3A_36 {dimension_numbers = #tpu.dot_dimension_numbers<[0], [1], [1], [0], [0, 1, 1, 0], [], []>, transpose_lhs_hint = false} : vector<64x1024xf32>, vector<16x64xf32>, vector<1024x16xf32> -> vector<1024x16xf32>
    %get3A_38 = arith.constant 0 : index
    %get3A_39 = arith.constant 5120 : index
    %get3A_40 = vector.load %arg1[%get3A_38, %get3A_39] : memref<64x8192xf32, #tpu.memory_space<vmem>>, vector<64x1024xf32>
    %get3A_41 = arith.constant 0 : index
    %get3A_42 = arith.constant 0 : index
    %get3A_43 = vector.load %arg2[%get3A_41, %get3A_42] : memref<16x64xf32, #tpu.memory_space<vmem>>, vector<16x64xf32>
    %dot_general3A_44 = arith.constant dense<0.000000e+00> : vector<1024x16xf32>
    %dot_general3A_45 = tpu.matmul %get3A_40, %get3A_43, %dot_general3A_44 {dimension_numbers = #tpu.dot_dimension_numbers<[0], [1], [1], [0], [0, 1, 1, 0], [], []>, transpose_lhs_hint = false} : vector<64x1024xf32>, vector<16x64xf32>, vector<1024x16xf32> -> vector<1024x16xf32>
    %get3A_46 = arith.constant 0 : index
    %get3A_47 = arith.constant 6144 : index
    %get3A_48 = vector.load %arg1[%get3A_46, %get3A_47] : memref<64x8192xf32, #tpu.memory_space<vmem>>, vector<64x1024xf32>
    %get3A_49 = arith.constant 0 : index
    %get3A_50 = arith.constant 0 : index
    %get3A_51 = vector.load %arg2[%get3A_49, %get3A_50] : memref<16x64xf32, #tpu.memory_space<vmem>>, vector<16x64xf32>
    %dot_general3A_52 = arith.constant dense<0.000000e+00> : vector<1024x16xf32>
    %dot_general3A_53 = tpu.matmul %get3A_48, %get3A_51, %dot_general3A_52 {dimension_numbers = #tpu.dot_dimension_numbers<[0], [1], [1], [0], [0, 1, 1, 0], [], []>, transpose_lhs_hint = false} : vector<64x1024xf32>, vector<16x64xf32>, vector<1024x16xf32> -> vector<1024x16xf32>
    %get3A_54 = arith.constant 0 : index
    %get3A_55 = arith.constant 7168 : index
    %get3A_56 = vector.load %arg1[%get3A_54, %get3A_55] : memref<64x8192xf32, #tpu.memory_space<vmem>>, vector<64x1024xf32>
    %get3A_57 = arith.constant 0 : index
    %get3A_58 = arith.constant 0 : index
    %get3A_59 = vector.load %arg2[%get3A_57, %get3A_58] : memref<16x64xf32, #tpu.memory_space<vmem>>, vector<16x64xf32>
    %dot_general3A_60 = arith.constant dense<0.000000e+00> : vector<1024x16xf32>
    %dot_general3A_61 = tpu.matmul %get3A_56, %get3A_59, %dot_general3A_60 {dimension_numbers = #tpu.dot_dimension_numbers<[0], [1], [1], [0], [0, 1, 1, 0], [], []>, transpose_lhs_hint = false} : vector<64x1024xf32>, vector<16x64xf32>, vector<1024x16xf32> -> vector<1024x16xf32>
    %concatenate3A = tpu.concatenate %dot_general3A_5, %dot_general3A_13, %dot_general3A_21, %dot_general3A_29, %dot_general3A_37, %dot_general3A_45, %dot_general3A_53, %dot_general3A_61 in 1 : vector<1024x16xf32>, vector<1024x16xf32>, vector<1024x16xf32>, vector<1024x16xf32>, vector<1024x16xf32>, vector<1024x16xf32>, vector<1024x16xf32>, vector<1024x16xf32> -> vector<1024x128xf32>
    %reshape3A = vector.shape_cast %concatenate3A : vector<1024x128xf32> to vector<131072xf32>
    %swap3A = arith.constant 0 : index
    %swap3A_62 = vector.load %arg3[%swap3A] : memref<131072xf32, #tpu.memory_space<vmem>>, vector<131072xf32>
    tpu.vector_store %arg3[%swap3A], %reshape3A {strides = array<i32>} : memref<131072xf32, #tpu.memory_space<vmem>>, vector<131072xf32>,
    return
  }
  func.func @transform_0(%arg0: i32) -> (i32, i32) {
    %c0_i32 = arith.constant 0 : i32
    %c0_i32_0 = arith.constant 0 : i32
    return %c0_i32, %arg0 : i32, i32
  }
  func.func @transform_1(%arg0: i32) -> (i32, i32) {
    %c0_i32 = arith.constant 0 : i32
    %c0_i32_0 = arith.constant 0 : i32
    %c0_i32_1 = arith.constant 0 : i32
    return %c0_i32, %c0_i32_0 : i32, i32
  }
  func.func @transform_2(%arg0: i32) -> i32 {
    %c0_i32 = arith.constant 0 : i32
    return %arg0 : i32
  }
}

</mosaic_0001>

<sc_bundles>
// kernel: kernel.4.cloned.1.call-start
scs
__scs_entry_jumppad:
0x0: {  	(pc) =	sbr.rel $0x88, $3  }
0x1: {  	(tag) =	ssettag $0x0;
	lr =	simm.s32 $0x1  }
0x2: {  	[smem:$0x3F9D] =	sst lr;
	_ =	strace $0xD0000000  }
0x3: {  	_ = 	snop  }
0x4: {  	_ = 	snop  }
0x5: {  	_ = 	snop  }
0x6: {  	_ = 	snop  }
0x7: {  	_ = 	snop  }
__scs_overlays_trampoline_lowered:
0x8: {  	[smem:$0x3FAC] =	sst s0  }
0x9: {  	[smem:$0x3FAD] =	sst s1  }
0xa: {  	[smem:$0x3FAE] =	sst s2  }
0xb: {  	[smem:$0x3FAF] =	sst s3  }
0xc: {  	[smem:$0x3FB0] =	sst s4  }
0xd: {  	[smem:$0x3FB1] =	sst s5  }
0xe: {  	[smem:$0x3FB2] =	sst s6  }
0xf: {  	[smem:$0x3FB3] =	sst s7  }
0x10: {  	[smem:$0x3FB4] =	sst s8  }
0x11: {  	[smem:$0x3FB5] =	sst s9;
	s0 =	simm.s32 @!p0 $0x0  }
0x12: {  	s1 =	sld [smem:$0x3F9B];
	s0 =	simm.s32 @p0 $0x1  }
0x13: {  	[smem:$0x3FB6] =	sst s0;
	s0 =	simm.s32 @!p1 $0x0  }
0x14: {  	s2 =	sld [smem:$0x3F9A];
	s0 =	simm.s32 @p1 $0x1  }
0x15: {  	[smem:$0x3FB7] =	sst s0;
	s0 =	simm.s32 @!p2 $0x0  }
0x16: {  	s3 =	sld [smem:$0x3FDB];
	s0 =	simm.s32 @p2 $0x1  }
0x17: {  	s4 =	simm.s32 $0x1BF5;
	[smem:$0x3FB9] =	sst s0  }
0x18: {  	s0 =	sld [smem:$0x3F9C];
	_ =	swait.ge [sflag:s4], $0x0  }
0x19: {  	s7 =	sld [smem:$0x3F9D]  }
0x1a: {  	s8 =	sadd.s32 $0xFFFFE003, lr  }
0x1b: {  	s9 =	sadd.s32 $0xFFFFFEF7, lr;
	s5 =	simm.s32 $0xFFFFFFFF;
	p2 =	slt.u32 s8, $0xFFFFF086  }
0x1c: {  	p1 =	slt.u32 s9, $0xF7A;
	s5 =	simm.s32 @!p2 $0x0  }
0x1d: {  	s5 =	simm.s32 @p1 $0x1;
	p0 =	seq.s32 s7, s2  }
0x1e: {  	s7 =	smul.u32 @!p0 $0xF7A, s2;
	p2 =	seq.s32 @!p0 s5, $0x0  }
0x1f: {  	s9 =	smul.u32 $0xF7A, s1;
	s8 =	simm.s32 @!p0 $0x1BF5;
	p2 =	por !p2, p0  }
0x20: {  	[sflag:s8] =	ssyncset.s32 @!p0 $0xFFFFF086;
	s6 =	sadd.s32 @!p0 s3, s7;
	s7 =	simm.s32 @!p0 $0x108  }
0x21: {  	s3 =	sadd.s32 s3, s9;
	s6 =	sadd.s32 @!p0 $0x88, s6;
	s7 =	simm.s32 @p2 $0x1082  }
0x22: {  	[simem:s7], [sflag:s8] =	dma.local @!p0 [hbm:s6], $0xF7A  }
0x23: {  	s9 =	sor.u32 $0xD0000000, s2;
	s6 =	simm.s32 $0x108;
	_ =	swait.ge @!p0 [sflag:s8], $0x0  }
0x24: {  	s3 =	sadd.s32 $0x88, s3;
	s6 =	simm.s32 @!p1 $0x1082;
	[sflag:s4] =	ssyncset.s32 $0xFFFFF086  }
0x25: {  	[simem:s6], [sflag:s4] =	dma.local [hbm:s3], $0xF7A  }
0x26: {  	[smem:$0x3F9D] =	sst s1;
	(tag) =	ssettag s2;
	_ =	strace s9  }
0x27: {  	s1 =	sld [smem:$0x3FAD]  }
0x28: {  	s2 =	sld [smem:$0x3FAE]  }
0x29: {  	s4 =	sld [smem:$0x3FB0]  }
0x2a: {  	p0 =	seq.s32 s5, $0x0;
	s5 =	sld [smem:$0x3FB1]  }
0x2b: {  	s6 =	sld [smem:$0x3FB2]  }
0x2c: {  	s7 =	sld [smem:$0x3FB3]  }
0x2d: {  	s3 =	simm.s32 $0x108;
	s8 =	sld [smem:$0x3FB4]  }
0x2e: {  	s3 =	simm.s32 @!p0 $0x1082;
	s9 =	sld [smem:$0x3FB5]  }
0x2f: {  	lr =	sadd.s32 s0, s3;
	s0 =	sld [smem:$0x3FAC]  }
0x30: {  	s3 =	sld [smem:$0x3FAF]  }
0x31: {  	[smem:$0x3FB8] =	sst s10  }
0x32: {  	s10 =	sld [smem:$0x3FB6];
	_ =	sdelay $0x3  }
0x33: {  	p0 =	seq.s32 s10, $0x1;
	s10 =	sld [smem:$0x3FB8];
	_ =	sdelay $0x3  }
0x34: {  	[smem:$0x3FB8] =	sst s10  }
0x35: {  	s10 =	sld [smem:$0x3FB7];
	_ =	sdelay $0x3  }
0x36: {  	p1 =	seq.s32 s10, $0x1;
	s10 =	sld [smem:$0x3FB8];
	_ =	sdelay $0x3  }
0x37: {  	[smem:$0x3FB8] =	sst s10  }
0x38: {  	s10 =	sld [smem:$0x3FB9]  }
0x39: {  	_ = 	snop;
	(pc) =	sbr.ind lr, $3  }
0x3a: {  	_ = 	snop  }
0x3b: {  	_ = 	snop  }
0x3c: {  	p2 =	seq.s32 s10, $0x1;
	s10 =	sld [smem:$0x3FB8]  }
0x3d: {  	_ =	shalt  }
0x3e: {  	_ =	shalt  }
0x3f: {  	_ =	shalt  }
0x40: {  	_ =	shalt  }
0x41: {  	_ =	shalt  }
0x42: {  	_ =	shalt  }
0x43: {  	_ =	shalt  }
0x44: {  	_ =	shalt  }
0x45: {  	_ =	shalt  }
0x46: {  	_ =	shalt  }
0x47: {  	_ =	shalt  }
0x48: {  	_ =	shalt  }
0x49: {  	_ =	shalt  }
0x4a: {  	_ =	shalt  }
0x4b: {  	_ =	shalt  }
0x4c: {  	_ =	shalt  }
0x4d: {  	_ =	shalt  }
0x4e: {  	_ =	shalt  }
0x4f: {  	_ =	shalt  }
0x50: {  	_ =	shalt  }
0x51: {  	_ =	shalt  }
0x52: {  	_ =	shalt  }
0x53: {  	_ =	shalt  }
0x54: {  	_ =	shalt  }
0x55: {  	_ =	shalt  }
0x56: {  	_ =	shalt  }
0x57: {  	_ =	shalt  }
0x58: {  	_ =	shalt  }
0x59: {  	_ =	shalt  }
0x5a: {  	_ =	shalt  }
0x5b: {  	_ =	shalt  }
0x5c: {  	_ =	shalt  }
0x5d: {  	_ =	shalt  }
0x5e: {  	_ =	shalt  }
0x5f: {  	_ =	shalt  }
0x60: {  	_ =	shalt  }
0x61: {  	_ =	shalt  }
0x62: {  	_ =	shalt  }
0x63: {  	_ =	shalt  }
0x64: {  	_ =	shalt  }
0x65: {  	_ =	shalt  }
0x66: {  	_ =	shalt  }
0x67: {  	_ =	shalt  }
0x68: {  	_ =	shalt  }
0x69: {  	_ =	shalt  }
0x6a: {  	_ =	shalt  }
0x6b: {  	_ =	shalt  }
0x6c: {  	_ =	shalt  }
0x6d: {  	_ =	shalt  }
0x6e: {  	_ =	shalt  }
0x6f: {  	_ =	shalt  }
0x70: {  	_ =	shalt  }
0x71: {  	_ =	shalt  }
0x72: {  	_ =	shalt  }
0x73: {  	_ =	shalt  }
0x74: {  	_ =	shalt  }
0x75: {  	_ =	shalt  }
0x76: {  	_ =	shalt  }
0x77: {  	_ =	shalt  }
0x78: {  	_ =	shalt  }
0x79: {  	_ =	shalt  }
0x7a: {  	_ =	shalt  }
0x7b: {  	_ =	shalt  }
0x7c: {  	_ =	shalt  }
0x7d: {  	_ =	shalt  }
0x7e: {  	_ =	shalt  }
0x7f: {  	_ =	shalt  }
0x80: {  	_ =	shalt  }
0x81: {  	_ =	shalt  }
0x82: {  	_ =	shalt  }
0x83: {  	_ =	shalt  }
0x84: {  	_ =	shalt  }
0x85: {  	_ =	shalt  }
0x86: {  	_ =	shalt  }
0x87: {  	_ =	shalt  }
.Lfunc_end0:
.L_simem_size_0:
called_computation_lowered:
.L_overlay_start_0:
0x88: {  	s2 =	sld [smem:$0x3FD9]  }
0x89: {  	s3 =	sld [smem:$0x3FFE];
	_ =	sdelay $0x1  }
0x8a: {  	s1 =	srdreg.scid  }
0x8b: {  	s0 =	sand.u32 $0x1, s1  }
0x8c: {  	s17 =	sshll.u32 s0, $0xA;
	s2 =	sadd.s32 s3, s2  }
0x8d: {  	s2 =	sadd.s32 s2, s17  }
0x8e: {  	[smem:$0x3FC4] =	sst s2  }
0x8f: {  	_ = 	snop  }
0x90: {  	s2 =	sld [smem:$0x3FD0];
	(tm) =	ssettm $0x1  }
0x91: {  	s18 =	sld [smem:$0x3FFB];
	_ =	sdelay $0x3  }
0x92: {  	_ =	strace s18  }
0x93: {  	s3 =	sld [smem:$0x3FFC];
	_ =	sdelay $0x3  }
0x94: {  	_ =	strace s3  }
0x95: {  	s3 =	sld [smem:$0x3FFD];
	_ =	sdelay $0x3  }
0x96: {  	_ =	strace s3  }
0x97: {  	_ =	strace $0x8FFFFFFF  }
0x98: {  	s19 =	sld [smem:$0x3FDB];
	_ =	sdelay $0x1  }
0x99: {  	s4 =	simm.s32 $_scs_section_size  }
0x9a: {  	s5 =	simm.s32 $_size__tile_overlayer_lowered;
	s6 =	simm.s32 $_tile_overlayer_lowered  }
0x9b: {  	s22 =	simm.s32 $0x1BFF;
	s21 =	sshll.u32 s6, $0x1;
	s3 =	sadd.s32 s4, s19  }
0x9c: {  	s7 =	simm.s32 $0x0;
	s20 =	sshll.u32 s5, $0x1;
	s5 =	sadd.s32 s21, s3  }
0x9d: {  	[timem:s7], [sflag:s22] =	dma.local [hbm:s5], s20  }
0x9e: {  	_ =	swait.ge [sflag:s22], s20  }
0x9f: {  	s4 =	ssub.s32 $0x0, s20;
	[sflag:s22] =	ssyncset.done $0x0  }
0xa0: {  	[sflag:s22] =	ssyncadd.s32 s4;
	_ =	sdelay $0x1  }
0xa1: {  	s23 =	simm.s32 $0x1B8B  }
0xa2: {  	_ =	swait.ge [sflag:s23], $0x1  }
0xa3: {  	[sflag:s23] =	ssyncset.done $0x0  }
0xa4: {  	s25 =	simm.s32 $0x1B8E;
	s24 =	sld [smem:$0x3FFE];
	[sflag:s23] =	ssyncadd.s32 $0xFFFFFFFF  }
0xa5: {  	s26 =	simm.s32 $execute0_lowered;
	[smem:$0x3FD2] =	sst s25  }
0xa6: {  	s5 =	sshll.u32 s26, $0x1;
	_ =	strace $0x80000046;
	[dreg:$0x1] =	wrdreg $0xFFFFFFFF  }
0xa7: {  	s28 =	simm.s32 $_size_execute0_lowered;
	s3 =	sadd.s32 s3, s5;
	[dreg:$0x0] =	wrdreg $0x0  }
0xa8: {  	s5 =	sshll.u32 s28, $0x1;
	[dreg:$0x2] =	wrdreg s3  }
0xa9: {  	[dreg:$0x3] =	wrdreg s5  }
0xaa: {  	[dreg:$0x4] =	wrdreg $0xC0  }
0xab: {  	_ =	task [dreg:s7], $0x5FFFF  }
0xac: {  	[dreg:$0x1] =	wrdreg $0xFFFFFFFF  }
0xad: {  	[dreg:$0x0] =	wrdreg $0x60  }
0xae: {  	[dreg:$0x2] =	wrdreg s24  }
0xaf: {  	[dreg:$0x3] =	wrdreg s2  }
0xb0: {  	[dreg:$0x4] =	wrdreg $0x9  }
0xb1: {  	_ =	task.clear_ibuf [dreg:s7], $0x5FFFF;
	_ =	strace $0x90000046  }
0xb2: {  	s29 =	simm.s32 $0x9;
	_ =	strace $0x80000048  }
0xb3: {  	_ =	swait.ge [sflag:s29], $0x1  }
0xb4: {  	[sflag:s29] =	ssyncadd.s32 $0xFFFFFFFF  }
0xb5: {  	_ =	strace $0x90000048  }
0xb6: {  	_ =	sfence  }
0xb7: {  	s30 =	sld [smem:$0x0];
	_ =	sdelay $0x2  }
0xb8: {  	s31 =	sshll.u32 s1, $0xD;
	s1 =	sshrl.u32 s1, $0x2  }
0xb9: {  	s3 =	sand.u32 $0x4000, s31;
	s1 =	sadd.s32 s1, s30  }
0xba: {  	s0 =	sor.u32 s3, s0;
	s1 =	sshll.u32 s1, $0x11  }
0xbb: {  	s0 =	sor.u32 s1, s0  }
0xbc: {  	s0 =	sadd.s32 $0x8F2B, s0  }
0xbd: {  	[sflag:s0] =	ssyncadd.remote.s32 $0x1  }
0xbe: {  	_ =	sfence.sel $0xFFFF  }
0xbf: {  	[dreg:$0x0] =	wrdreg $0xFFFFFFFF;
	(pc) =	sbr.abs _section_cstart, $3  }
0xc0: {  	[dreg:$0x1] =	wrdreg $0xFFFFFFFF  }
0xc1: {  	_ =	task.clear_ibuf [dreg:s7], $0x2FFFF;
	_ =	strace $0x9FFFFFFF  }
0xc2: {  	(tm) =	ssettm $0x7FFFFFFF  }
0xc3: {  	_ =	shalt  }
tec
execute0_lowered:
.L_overlay_start_1:
0x0: {  	(tag) =	ssettag $0x1  }
0x1: {  	s0 =	rddreg [dreg:$0x0]  }
0x2: {  	s1 =	srdreg.scid;
	s2 =	stileid.u32  }
0x3: {  	s3 =	simm.s32 $0x0;
	s8 =	simm.s32 $0x3;
	s10 =	simm.s32 $0x640  }
0x4: {  	s11 =	simm.s32 $0x6400;
	s12 =	simm.s32 $0xC800;
	s13 =	simm.s32 $0x1  }
0x5: {  	s14 =	simm.s32 $0xC80;
	s15 =	simm.s32 $0x2;
	s16 =	simm.s32 $0x12C0  }
0x6: {  	s17 =	simm.s32 $0x1900;
	s18 =	simm.s32 $0x1F40;
	s19 =	simm.s32 $0x2580  }
0x7: {  	s20 =	simm.s32 $0x2BC0;
	s21 =	simm.s32 $0x3200;
	s22 =	simm.s32 $0x3840  }
0x8: {  	s23 =	simm.s32 $0x3E80;
	s24 =	simm.s32 $0x44C0;
	s25 =	simm.s32 $0x4B00  }
0x9: {  	s28 =	simm.s32 $0x5780;
	s29 =	simm.s32 $0x5DC0;
	s30 =	simm.s32 $0x12C00  }
0xa: {  	s31 =	simm.s32 $0x0;
	s1 =	sand.u32 $0x1, s1;
	s2 =	sshll.u32 s2, $0x1  }
0xb: {  	[smem:$0x7FF] =	sst s3;
	s2 =	sor.u32 s1, s2;
	s1 =	ssub.s32 $0x2, s1  }
0xc: {  	_ =	strace $0x80000047;
	s4 =	smul.u32 $0xC80, s2;
	s26 =	sshrl.u32 s1, $0x1  }
0xd: {  	s2 =	sshll.u32 s2, $0x8;
	s1 =	ssub.s32 s1, s26;
	s26 =	simm.s32 $0x5140  }
0xe: {  	s5 =	sadd.s32 s4, s0;
	s4 =	sadd.s32 $0x19400, s0;
	s0 =	sadd.s32 s2, s0  }
0xf: {  	s7 =	smax.u32 s1, $0x1;
	s5 =	sadd.s32 $0x400, s5;
	s6 =	sadd.s32 $0x205400, s0  }
.LBB2_1:
0x10: {  	[tilespmem:s3], [sflag:$0x3] =	stream.linear.gather [hbm4b:s5+s3], $0x6400, $0x38;
	[tilespmem:$0x13410] =	vst v63  }
0x11: {  	_ =	swait.ge [sflag:s8], $0x6400  }
0x12: {  	[sflag:s8] =	ssyncset.done $0x0  }
0x13: {  	[sflag:s8] =	ssyncadd.s32 $0xFFFF9C00  }
0x14: {  	s1 =	simm.s32 $0x13400;
	s0 =	rddreg [dreg:$0x1]  }
0x15: {  	[tilespmem:s1], [sflag:$0x3] =	stream.linear.gather [hbm4b:s0+s3], $0x10, $0x38;
	[tilespmem:$0x13410] =	vst v63  }
0x16: {  	_ =	swait.ge [sflag:s8], $0x10  }
0x17: {  	[sflag:s8] =	ssyncset.done $0x0  }
0x18: {  	[sflag:s8] =	ssyncadd.s32 $0xFFFFFFF0  }
0x19: {  	v0 =	vld [tilespmem:$0x13400];
	[tilespmem:s11], [sflag:$0x1] =	stream.indirect.gather [hbm4b:s4+s10], $0x10, s3, s10, $0xb8  }
0x1a: {  	_ = 	snop  }
0x1b: {  	[tilespmem:s12], [sflag:$0x2] =	stream.indirect.gather [hbm4b:s4+s10], $0x10, s10, s10, $0xb8;
	[tilespmem:$0x13410] =	vst v63  }
0x1c: {  	_ =	swait.ge [sflag:s13], $0x6400  }
0x1d: {  	[sflag:s13] =	ssyncset.done $0x0  }
0x1e: {  	s1 =	simm.s32 $0x6420;
	s0 =	simm.s32 $0x0;
	[sflag:s13] =	ssyncadd.s32 $0xFFFF9C00  }
.LBB2_2:
0x1f: {  	v1 =	vmov s1;
	_ =	sdelay $0x3  }
0x20: {  	s9 =	simm.s32 $0x0  }
0x21: {  	v2 =	vld.idx.msk [tilespmem:v1+s9+$0x10 ss:$0x1], $0xffff  }
0x22: {  	v3 =	vld.idx.msk [tilespmem:v1+s9+$0xFFFFFFE0 ss:$0x1], $0xffff  }
0x23: {  	v4 =	vimm.f32 $0.0e+00;
	v5 =	vld.idx.msk [tilespmem:v1+s9+$0xFFFFFFF0 ss:$0x1], $0xffff  }
0x24: {  	s2 =	simm.s32 $0x100;
	v7 =	vimm.f32 $0.0e+00;
	v8 =	vimm.f32 $0.0e+00;
	v9 =	vimm.f32 $0.0e+00;
	v6 =	vld.idx.msk [tilespmem:v1+s9+$0x0 ss:$0x1], $0xffff  }
.LBB2_3:
0x25: {  	p0 =	sne.s32 s2, $0x3100  }
.Ltmp0:
0x26: {  	s9 =	sshra.s32 s2, $0x2;
	s2 =	sadd.s32 $0x100, s2;
	(pc) =	sbr.rel @p0 .LBB2_3-.Ltmp0, $4  }
0x27: {  	v4 =	vadd.f32 v2, v4;
	v2 =	vld.idx.msk [tilespmem:v1+s9+$0x10 ss:$0x1], $0xffff  }
0x28: {  	v7 =	vadd.f32 v3, v7;
	v3 =	vld.idx.msk [tilespmem:v1+s9+$0xFFFFFFE0 ss:$0x1], $0xffff  }
0x29: {  	v8 =	vadd.f32 v5, v8;
	v5 =	vld.idx.msk [tilespmem:v1+s9+$0xFFFFFFF0 ss:$0x1], $0xffff  }
0x2a: {  	v9 =	vadd.f32 v6, v9;
	v6 =	vld.idx.msk [tilespmem:v1+s9+$0x0 ss:$0x1], $0xffff  }
0x2b: {  	_ =	sdelay $0x2  }
0x2c: {  	v1 =	vadd.f32 v2, v4;
	v2 =	vadd.f32 v3, v7  }
0x2d: {  	v3 =	vadd.f32 v5, v8;
	v63 =	vadd.f32 v6, v9;
	_ =	sdelay $0x1  }
0x2e: {  	v2 =	vadd.f32 v3, v2;
	v1 =	vadd.f32 v1, v63;
	_ =	sdelay $0x1  }
0x2f: {  	s2 =	sshll.u32 s0, $0x4;
	s0 =	sadd.s32 $0x1, s0;
	v1 =	vadd.f32 v1, v2  }
0x30: {  	p0 =	sne.s32 s0, $0x8  }
.Ltmp1:
0x31: {  	v1 =	vmul.f32 $4.999999890e-03, v1;
	(pc) =	sbr.rel @p0 .LBB2_2-.Ltmp1, $4  }
0x32: {  	_ = 	snop  }
0x33: {  	v1 =	vadd.f32 v1, v0  }
0x34: {  	s2 =	sand.u32 $0x3FFFFFF0, s2  }
0x35: {  	s1 =	sadd.s32 $0xC80, s1;
	[tilespmem:s2+$0x12C00] =	vst v1  }
0x36: {  	s1 =	simm.s32 $0x6400  }
0x37: {  	[tilespmem:s1], [sflag:$0x1] =	stream.indirect.gather [hbm4b:s4+s10], $0x10, s14, s10, $0xb8;
	[tilespmem:$0x13410] =	vst v63  }
0x38: {  	_ =	swait.ge [sflag:s15], $0x6400  }
0x39: {  	[sflag:s15] =	ssyncset.done $0x0  }
0x3a: {  	s0 =	simm.s32 $0x0;
	[sflag:s15] =	ssyncadd.s32 $0xFFFF9C00  }
.LBB2_6:
0x3b: {  	v1 =	vmov s1;
	_ =	sdelay $0x3  }
0x3c: {  	s9 =	simm.s32 $0x0  }
0x3d: {  	v2 =	vld.idx.msk [tilespmem:v1+s9+$0x6430 ss:$0x1], $0xffff  }
0x3e: {  	v3 =	vld.idx.msk [tilespmem:v1+s9+$0x6400 ss:$0x1], $0xffff  }
0x3f: {  	v4 =	vimm.f32 $0.0e+00;
	v5 =	vld.idx.msk [tilespmem:v1+s9+$0x6410 ss:$0x1], $0xffff  }
0x40: {  	s2 =	simm.s32 $0x100;
	v7 =	vimm.f32 $0.0e+00;
	v8 =	vimm.f32 $0.0e+00;
	v9 =	vimm.f32 $0.0e+00;
	v6 =	vld.idx.msk [tilespmem:v1+s9+$0x6420 ss:$0x1], $0xffff  }
.LBB2_7:
0x41: {  	p0 =	sne.s32 s2, $0x3100  }
.Ltmp2:
0x42: {  	s9 =	sshra.s32 s2, $0x2;
	s2 =	sadd.s32 $0x100, s2;
	(pc) =	sbr.rel @p0 .LBB2_7-.Ltmp2, $4  }
0x43: {  	v4 =	vadd.f32 v2, v4;
	v2 =	vld.idx.msk [tilespmem:v1+s9+$0x6430 ss:$0x1], $0xffff  }
0x44: {  	v7 =	vadd.f32 v3, v7;
	v3 =	vld.idx.msk [tilespmem:v1+s9+$0x6400 ss:$0x1], $0xffff  }
0x45: {  	v8 =	vadd.f32 v5, v8;
	v5 =	vld.idx.msk [tilespmem:v1+s9+$0x6410 ss:$0x1], $0xffff  }
0x46: {  	v9 =	vadd.f32 v6, v9;
	v6 =	vld.idx.msk [tilespmem:v1+s9+$0x6420 ss:$0x1], $0xffff  }
0x47: {  	_ =	sdelay $0x2  }
0x48: {  	v1 =	vadd.f32 v2, v4;
	v2 =	vadd.f32 v3, v7  }
0x49: {  	v3 =	vadd.f32 v5, v8;
	v63 =	vadd.f32 v6, v9;
	_ =	sdelay $0x1  }
0x4a: {  	v2 =	vadd.f32 v3, v2;
	v1 =	vadd.f32 v1, v63;
	_ =	sdelay $0x1  }
0x4b: {  	s2 =	sshll.u32 s0, $0x4;
	s0 =	sadd.s32 $0x1, s0;
	v1 =	vadd.f32 v1, v2  }
0x4c: {  	p0 =	sne.s32 s0, $0x8  }
.Ltmp3:
0x4d: {  	v1 =	vmul.f32 $4.999999890e-03, v1;
	(pc) =	sbr.rel @p0 .LBB2_6-.Ltmp3, $4  }
0x4e: {  	_ = 	snop  }
0x4f: {  	v1 =	vadd.f32 v1, v0  }
0x50: {  	s2 =	sand.u32 $0x3FFFFFF0, s2  }
0x51: {  	s1 =	sadd.s32 $0xC80, s1;
	[tilespmem:s2+$0x12C80] =	vst v1  }
0x52: {  	[tilespmem:s12], [sflag:$0x2] =	stream.indirect.gather [hbm4b:s4+s10], $0x10, s16, s10, $0xb8;
	[tilespmem:$0x13410] =	vst v63  }
0x53: {  	_ =	swait.ge [sflag:s13], $0x6400  }
0x54: {  	[sflag:s13] =	ssyncset.done $0x0  }
0x55: {  	s1 =	simm.s32 $0x0;
	s0 =	simm.s32 $0x6420;
	[sflag:s13] =	ssyncadd.s32 $0xFFFF9C00  }
.LBB2_10:
0x56: {  	v1 =	vmov s0;
	_ =	sdelay $0x3  }
0x57: {  	s9 =	simm.s32 $0x0  }
0x58: {  	v2 =	vld.idx.msk [tilespmem:v1+s9+$0x10 ss:$0x1], $0xffff  }
0x59: {  	v3 =	vld.idx.msk [tilespmem:v1+s9+$0xFFFFFFE0 ss:$0x1], $0xffff  }
0x5a: {  	v4 =	vimm.f32 $0.0e+00;
	v5 =	vld.idx.msk [tilespmem:v1+s9+$0xFFFFFFF0 ss:$0x1], $0xffff  }
0x5b: {  	s2 =	simm.s32 $0x100;
	v7 =	vimm.f32 $0.0e+00;
	v8 =	vimm.f32 $0.0e+00;
	v9 =	vimm.f32 $0.0e+00;
	v6 =	vld.idx.msk [tilespmem:v1+s9+$0x0 ss:$0x1], $0xffff  }
.LBB2_11:
0x5c: {  	p0 =	sne.s32 s2, $0x3100  }
.Ltmp4:
0x5d: {  	s9 =	sshra.s32 s2, $0x2;
	s2 =	sadd.s32 $0x100, s2;
	(pc) =	sbr.rel @p0 .LBB2_11-.Ltmp4, $4  }
0x5e: {  	v4 =	vadd.f32 v2, v4;
	v2 =	vld.idx.msk [tilespmem:v1+s9+$0x10 ss:$0x1], $0xffff  }
0x5f: {  	v7 =	vadd.f32 v3, v7;
	v3 =	vld.idx.msk [tilespmem:v1+s9+$0xFFFFFFE0 ss:$0x1], $0xffff  }
0x60: {  	v8 =	vadd.f32 v5, v8;
	v5 =	vld.idx.msk [tilespmem:v1+s9+$0xFFFFFFF0 ss:$0x1], $0xffff  }
0x61: {  	v9 =	vadd.f32 v6, v9;
	v6 =	vld.idx.msk [tilespmem:v1+s9+$0x0 ss:$0x1], $0xffff  }
0x62: {  	_ =	sdelay $0x2  }
0x63: {  	v1 =	vadd.f32 v2, v4;
	v2 =	vadd.f32 v3, v7  }
0x64: {  	v3 =	vadd.f32 v5, v8;
	v63 =	vadd.f32 v6, v9;
	_ =	sdelay $0x1  }
0x65: {  	v2 =	vadd.f32 v3, v2;
	v1 =	vadd.f32 v1, v63;
	_ =	sdelay $0x1  }
0x66: {  	s2 =	sshll.u32 s1, $0x4;
	s1 =	sadd.s32 $0x1, s1;
	v1 =	vadd.f32 v1, v2  }
0x67: {  	p0 =	sne.s32 s1, $0x8  }
.Ltmp5:
0x68: {  	v1 =	vmul.f32 $4.999999890e-03, v1;
	(pc) =	sbr.rel @p0 .LBB2_10-.Ltmp5, $4  }
0x69: {  	_ = 	snop  }
0x6a: {  	v1 =	vadd.f32 v1, v0  }
0x6b: {  	s2 =	sand.u32 $0x3FFFFFF0, s2  }
0x6c: {  	s0 =	sadd.s32 $0xC80, s0;
	[tilespmem:s2+$0x12D00] =	vst v1  }
0x6d: {  	s1 =	simm.s32 $0x6400  }
0x6e: {  	[tilespmem:s1], [sflag:$0x1] =	stream.indirect.gather [hbm4b:s4+s10], $0x10, s17, s10, $0xb8;
	[tilespmem:$0x13410] =	vst v63  }
0x6f: {  	_ =	swait.ge [sflag:s15], $0x6400  }
0x70: {  	[sflag:s15] =	ssyncset.done $0x0  }
0x71: {  	s0 =	simm.s32 $0x0;
	[sflag:s15] =	ssyncadd.s32 $0xFFFF9C00  }
.LBB2_14:
0x72: {  	v1 =	vmov s1;
	_ =	sdelay $0x3  }
0x73: {  	s9 =	simm.s32 $0x0  }
0x74: {  	v2 =	vld.idx.msk [tilespmem:v1+s9+$0x6430 ss:$0x1], $0xffff  }
0x75: {  	v3 =	vld.idx.msk [tilespmem:v1+s9+$0x6400 ss:$0x1], $0xffff  }
0x76: {  	v4 =	vimm.f32 $0.0e+00;
	v5 =	vld.idx.msk [tilespmem:v1+s9+$0x6410 ss:$0x1], $0xffff  }
0x77: {  	s2 =	simm.s32 $0x100;
	v7 =	vimm.f32 $0.0e+00;
	v8 =	vimm.f32 $0.0e+00;
	v9 =	vimm.f32 $0.0e+00;
	v6 =	vld.idx.msk [tilespmem:v1+s9+$0x6420 ss:$0x1], $0xffff  }
.LBB2_15:
0x78: {  	p0 =	sne.s32 s2, $0x3100  }
.Ltmp6:
0x79: {  	s9 =	sshra.s32 s2, $0x2;
	s2 =	sadd.s32 $0x100, s2;
	(pc) =	sbr.rel @p0 .LBB2_15-.Ltmp6, $4  }
0x7a: {  	v4 =	vadd.f32 v2, v4;
	v2 =	vld.idx.msk [tilespmem:v1+s9+$0x6430 ss:$0x1], $0xffff  }
0x7b: {  	v7 =	vadd.f32 v3, v7;
	v3 =	vld.idx.msk [tilespmem:v1+s9+$0x6400 ss:$0x1], $0xffff  }
0x7c: {  	v8 =	vadd.f32 v5, v8;
	v5 =	vld.idx.msk [tilespmem:v1+s9+$0x6410 ss:$0x1], $0xffff  }
0x7d: {  	v9 =	vadd.f32 v6, v9;
	v6 =	vld.idx.msk [tilespmem:v1+s9+$0x6420 ss:$0x1], $0xffff  }
0x7e: {  	_ =	sdelay $0x2  }
0x7f: {  	v1 =	vadd.f32 v2, v4;
	v2 =	vadd.f32 v3, v7  }
0x80: {  	v3 =	vadd.f32 v5, v8;
	v63 =	vadd.f32 v6, v9;
	_ =	sdelay $0x1  }
0x81: {  	v2 =	vadd.f32 v3, v2;
	v1 =	vadd.f32 v1, v63;
	_ =	sdelay $0x1  }
0x82: {  	s2 =	sshll.u32 s0, $0x4;
	s0 =	sadd.s32 $0x1, s0;
	v1 =	vadd.f32 v1, v2  }
0x83: {  	p0 =	sne.s32 s0, $0x8  }
.Ltmp7:
0x84: {  	v1 =	vmul.f32 $4.999999890e-03, v1;
	(pc) =	sbr.rel @p0 .LBB2_14-.Ltmp7, $4  }
0x85: {  	_ = 	snop  }
0x86: {  	v1 =	vadd.f32 v1, v0  }
0x87: {  	s2 =	sand.u32 $0x3FFFFFF0, s2  }
0x88: {  	s1 =	sadd.s32 $0xC80, s1;
	[tilespmem:s2+$0x12D80] =	vst v1  }
0x89: {  	[tilespmem:s12], [sflag:$0x2] =	stream.indirect.gather [hbm4b:s4+s10], $0x10, s18, s10, $0xb8;
	[tilespmem:$0x13410] =	vst v63  }
0x8a: {  	_ =	swait.ge [sflag:s13], $0x6400  }
0x8b: {  	[sflag:s13] =	ssyncset.done $0x0  }
0x8c: {  	s1 =	simm.s32 $0x0;
	s0 =	simm.s32 $0x6420;
	[sflag:s13] =	ssyncadd.s32 $0xFFFF9C00  }
.LBB2_18:
0x8d: {  	v1 =	vmov s0;
	_ =	sdelay $0x3  }
0x8e: {  	s9 =	simm.s32 $0x0  }
0x8f: {  	v2 =	vld.idx.msk [tilespmem:v1+s9+$0x10 ss:$0x1], $0xffff  }
0x90: {  	v3 =	vld.idx.msk [tilespmem:v1+s9+$0xFFFFFFE0 ss:$0x1], $0xffff  }
0x91: {  	v4 =	vimm.f32 $0.0e+00;
	v5 =	vld.idx.msk [tilespmem:v1+s9+$0xFFFFFFF0 ss:$0x1], $0xffff  }
0x92: {  	s2 =	simm.s32 $0x100;
	v7 =	vimm.f32 $0.0e+00;
	v8 =	vimm.f32 $0.0e+00;
	v9 =	vimm.f32 $0.0e+00;
	v6 =	vld.idx.msk [tilespmem:v1+s9+$0x0 ss:$0x1], $0xffff  }
.LBB2_19:
0x93: {  	p0 =	sne.s32 s2, $0x3100  }
.Ltmp8:
0x94: {  	s9 =	sshra.s32 s2, $0x2;
	s2 =	sadd.s32 $0x100, s2;
	(pc) =	sbr.rel @p0 .LBB2_19-.Ltmp8, $4  }
0x95: {  	v4 =	vadd.f32 v2, v4;
	v2 =	vld.idx.msk [tilespmem:v1+s9+$0x10 ss:$0x1], $0xffff  }
0x96: {  	v7 =	vadd.f32 v3, v7;
	v3 =	vld.idx.msk [tilespmem:v1+s9+$0xFFFFFFE0 ss:$0x1], $0xffff  }
0x97: {  	v8 =	vadd.f32 v5, v8;
	v5 =	vld.idx.msk [tilespmem:v1+s9+$0xFFFFFFF0 ss:$0x1], $0xffff  }
0x98: {  	v9 =	vadd.f32 v6, v9;
	v6 =	vld.idx.msk [tilespmem:v1+s9+$0x0 ss:$0x1], $0xffff  }
0x99: {  	_ =	sdelay $0x2  }
0x9a: {  	v1 =	vadd.f32 v2, v4;
	v2 =	vadd.f32 v3, v7  }
0x9b: {  	v3 =	vadd.f32 v5, v8;
	v63 =	vadd.f32 v6, v9;
	_ =	sdelay $0x1  }
0x9c: {  	v2 =	vadd.f32 v3, v2;
	v1 =	vadd.f32 v1, v63;
	_ =	sdelay $0x1  }
0x9d: {  	s2 =	sshll.u32 s1, $0x4;
	s1 =	sadd.s32 $0x1, s1;
	v1 =	vadd.f32 v1, v2  }
0x9e: {  	p0 =	sne.s32 s1, $0x8  }
.Ltmp9:
0x9f: {  	v1 =	vmul.f32 $4.999999890e-03, v1;
	(pc) =	sbr.rel @p0 .LBB2_18-.Ltmp9, $4  }
0xa0: {  	_ = 	snop  }
0xa1: {  	v1 =	vadd.f32 v1, v0  }
0xa2: {  	s2 =	sand.u32 $0x3FFFFFF0, s2  }
0xa3: {  	s0 =	sadd.s32 $0xC80, s0;
	[tilespmem:s2+$0x12E00] =	vst v1  }
0xa4: {  	s1 =	simm.s32 $0x6400  }
0xa5: {  	[tilespmem:s1], [sflag:$0x1] =	stream.indirect.gather [hbm4b:s4+s10], $0x10, s19, s10, $0xb8;
	[tilespmem:$0x13410] =	vst v63  }
0xa6: {  	_ =	swait.ge [sflag:s15], $0x6400  }
0xa7: {  	[sflag:s15] =	ssyncset.done $0x0  }
0xa8: {  	s0 =	simm.s32 $0x0;
	[sflag:s15] =	ssyncadd.s32 $0xFFFF9C00  }
.LBB2_22:
0xa9: {  	v1 =	vmov s1;
	_ =	sdelay $0x3  }
0xaa: {  	s9 =	simm.s32 $0x0  }
0xab: {  	v2 =	vld.idx.msk [tilespmem:v1+s9+$0x6430 ss:$0x1], $0xffff  }
0xac: {  	v3 =	vld.idx.msk [tilespmem:v1+s9+$0x6400 ss:$0x1], $0xffff  }
0xad: {  	v4 =	vimm.f32 $0.0e+00;
	v5 =	vld.idx.msk [tilespmem:v1+s9+$0x6410 ss:$0x1], $0xffff  }
0xae: {  	s2 =	simm.s32 $0x100;
	v7 =	vimm.f32 $0.0e+00;
	v8 =	vimm.f32 $0.0e+00;
	v9 =	vimm.f32 $0.0e+00;
	v6 =	vld.idx.msk [tilespmem:v1+s9+$0x6420 ss:$0x1], $0xffff  }
.LBB2_23:
0xaf: {  	p0 =	sne.s32 s2, $0x3100  }
.Ltmp10:
0xb0: {  	s9 =	sshra.s32 s2, $0x2;
	s2 =	sadd.s32 $0x100, s2;
	(pc) =	sbr.rel @p0 .LBB2_23-.Ltmp10, $4  }
0xb1: {  	v4 =	vadd.f32 v2, v4;
	v2 =	vld.idx.msk [tilespmem:v1+s9+$0x6430 ss:$0x1], $0xffff  }
0xb2: {  	v7 =	vadd.f32 v3, v7;
	v3 =	vld.idx.msk [tilespmem:v1+s9+$0x6400 ss:$0x1], $0xffff  }
0xb3: {  	v8 =	vadd.f32 v5, v8;
	v5 =	vld.idx.msk [tilespmem:v1+s9+$0x6410 ss:$0x1], $0xffff  }
0xb4: {  	v9 =	vadd.f32 v6, v9;
	v6 =	vld.idx.msk [tilespmem:v1+s9+$0x6420 ss:$0x1], $0xffff  }
0xb5: {  	_ =	sdelay $0x2  }
0xb6: {  	v1 =	vadd.f32 v2, v4;
	v2 =	vadd.f32 v3, v7  }
0xb7: {  	v3 =	vadd.f32 v5, v8;
	v63 =	vadd.f32 v6, v9;
	_ =	sdelay $0x1  }
0xb8: {  	v2 =	vadd.f32 v3, v2;
	v1 =	vadd.f32 v1, v63;
	_ =	sdelay $0x1  }
0xb9: {  	s2 =	sshll.u32 s0, $0x4;
	s0 =	sadd.s32 $0x1, s0;
	v1 =	vadd.f32 v1, v2  }
0xba: {  	p0 =	sne.s32 s0, $0x8  }
.Ltmp11:
0xbb: {  	v1 =	vmul.f32 $4.999999890e-03, v1;
	(pc) =	sbr.rel @p0 .LBB2_22-.Ltmp11, $4  }
0xbc: {  	_ = 	snop  }
0xbd: {  	v1 =	vadd.f32 v1, v0  }
0xbe: {  	s2 =	sand.u32 $0x3FFFFFF0, s2  }
0xbf: {  	s1 =	sadd.s32 $0xC80, s1;
	[tilespmem:s2+$0x12E80] =	vst v1  }
0xc0: {  	[tilespmem:s12], [sflag:$0x2] =	stream.indirect.gather [hbm4b:s4+s10], $0x10, s20, s10, $0xb8;
	[tilespmem:$0x13410] =	vst v63  }
0xc1: {  	_ =	swait.ge [sflag:s13], $0x6400  }
0xc2: {  	[sflag:s13] =	ssyncset.done $0x0  }
0xc3: {  	s1 =	simm.s32 $0x0;
	s0 =	simm.s32 $0x6420;
	[sflag:s13] =	ssyncadd.s32 $0xFFFF9C00  }
.LBB2_26:
0xc4: {  	v1 =	vmov s0;
	_ =	sdelay $0x3  }
0xc5: {  	s9 =	simm.s32 $0x0  }
0xc6: {  	v2 =	vld.idx.msk [tilespmem:v1+s9+$0x10 ss:$0x1], $0xffff  }
0xc7: {  	v3 =	vld.idx.msk [tilespmem:v1+s9+$0xFFFFFFE0 ss:$0x1], $0xffff  }
0xc8: {  	v4 =	vimm.f32 $0.0e+00;
	v5 =	vld.idx.msk [tilespmem:v1+s9+$0xFFFFFFF0 ss:$0x1], $0xffff  }
0xc9: {  	s2 =	simm.s32 $0x100;
	v7 =	vimm.f32 $0.0e+00;
	v8 =	vimm.f32 $0.0e+00;
	v9 =	vimm.f32 $0.0e+00;
	v6 =	vld.idx.msk [tilespmem:v1+s9+$0x0 ss:$0x1], $0xffff  }
.LBB2_27:
0xca: {  	p0 =	sne.s32 s2, $0x3100  }
.Ltmp12:
0xcb: {  	s9 =	sshra.s32 s2, $0x2;
	s2 =	sadd.s32 $0x100, s2;
	(pc) =	sbr.rel @p0 .LBB2_27-.Ltmp12, $4  }
0xcc: {  	v4 =	vadd.f32 v2, v4;
	v2 =	vld.idx.msk [tilespmem:v1+s9+$0x10 ss:$0x1], $0xffff  }
0xcd: {  	v7 =	vadd.f32 v3, v7;
	v3 =	vld.idx.msk [tilespmem:v1+s9+$0xFFFFFFE0 ss:$0x1], $0xffff  }
0xce: {  	v8 =	vadd.f32 v5, v8;
	v5 =	vld.idx.msk [tilespmem:v1+s9+$0xFFFFFFF0 ss:$0x1], $0xffff  }
0xcf: {  	v9 =	vadd.f32 v6, v9;
	v6 =	vld.idx.msk [tilespmem:v1+s9+$0x0 ss:$0x1], $0xffff  }
0xd0: {  	_ =	sdelay $0x2  }
0xd1: {  	v1 =	vadd.f32 v2, v4;
	v2 =	vadd.f32 v3, v7  }
0xd2: {  	v3 =	vadd.f32 v5, v8;
	v63 =	vadd.f32 v6, v9;
	_ =	sdelay $0x1  }
0xd3: {  	v2 =	vadd.f32 v3, v2;
	v1 =	vadd.f32 v1, v63;
	_ =	sdelay $0x1  }
0xd4: {  	s2 =	sshll.u32 s1, $0x4;
	s1 =	sadd.s32 $0x1, s1;
	v1 =	vadd.f32 v1, v2  }
0xd5: {  	p0 =	sne.s32 s1, $0x8  }
.Ltmp13:
0xd6: {  	v1 =	vmul.f32 $4.999999890e-03, v1;
	(pc) =	sbr.rel @p0 .LBB2_26-.Ltmp13, $4  }
0xd7: {  	_ = 	snop  }
0xd8: {  	v1 =	vadd.f32 v1, v0  }
0xd9: {  	s2 =	sand.u32 $0x3FFFFFF0, s2  }
0xda: {  	s0 =	sadd.s32 $0xC80, s0;
	[tilespmem:s2+$0x12F00] =	vst v1  }
0xdb: {  	s1 =	simm.s32 $0x6400  }
0xdc: {  	[tilespmem:s1], [sflag:$0x1] =	stream.indirect.gather [hbm4b:s4+s10], $0x10, s21, s10, $0xb8;
	[tilespmem:$0x13410] =	vst v63  }
0xdd: {  	_ =	swait.ge [sflag:s15], $0x6400  }
0xde: {  	[sflag:s15] =	ssyncset.done $0x0  }
0xdf: {  	s0 =	simm.s32 $0x0;
	[sflag:s15] =	ssyncadd.s32 $0xFFFF9C00  }
.LBB2_30:
0xe0: {  	v1 =	vmov s1;
	_ =	sdelay $0x3  }
0xe1: {  	s9 =	simm.s32 $0x0  }
0xe2: {  	v2 =	vld.idx.msk [tilespmem:v1+s9+$0x6430 ss:$0x1], $0xffff  }
0xe3: {  	v3 =	vld.idx.msk [tilespmem:v1+s9+$0x6400 ss:$0x1], $0xffff  }
0xe4: {  	v4 =	vimm.f32 $0.0e+00;
	v5 =	vld.idx.msk [tilespmem:v1+s9+$0x6410 ss:$0x1], $0xffff  }
0xe5: {  	s2 =	simm.s32 $0x100;
	v7 =	vimm.f32 $0.0e+00;
	v8 =	vimm.f32 $0.0e+00;
	v9 =	vimm.f32 $0.0e+00;
	v6 =	vld.idx.msk [tilespmem:v1+s9+$0x6420 ss:$0x1], $0xffff  }
.LBB2_31:
0xe6: {  	p0 =	sne.s32 s2, $0x3100  }
.Ltmp14:
0xe7: {  	s9 =	sshra.s32 s2, $0x2;
	s2 =	sadd.s32 $0x100, s2;
	(pc) =	sbr.rel @p0 .LBB2_31-.Ltmp14, $4  }
0xe8: {  	v4 =	vadd.f32 v2, v4;
	v2 =	vld.idx.msk [tilespmem:v1+s9+$0x6430 ss:$0x1], $0xffff  }
0xe9: {  	v7 =	vadd.f32 v3, v7;
	v3 =	vld.idx.msk [tilespmem:v1+s9+$0x6400 ss:$0x1], $0xffff  }
0xea: {  	v8 =	vadd.f32 v5, v8;
	v5 =	vld.idx.msk [tilespmem:v1+s9+$0x6410 ss:$0x1], $0xffff  }
0xeb: {  	v9 =	vadd.f32 v6, v9;
	v6 =	vld.idx.msk [tilespmem:v1+s9+$0x6420 ss:$0x1], $0xffff  }
0xec: {  	_ =	sdelay $0x2  }
0xed: {  	v1 =	vadd.f32 v2, v4;
	v2 =	vadd.f32 v3, v7  }
0xee: {  	v3 =	vadd.f32 v5, v8;
	v63 =	vadd.f32 v6, v9;
	_ =	sdelay $0x1  }
0xef: {  	v2 =	vadd.f32 v3, v2;
	v1 =	vadd.f32 v1, v63;
	_ =	sdelay $0x1  }
0xf0: {  	s2 =	sshll.u32 s0, $0x4;
	s0 =	sadd.s32 $0x1, s0;
	v1 =	vadd.f32 v1, v2  }
0xf1: {  	p0 =	sne.s32 s0, $0x8  }
.Ltmp15:
0xf2: {  	v1 =	vmul.f32 $4.999999890e-03, v1;
	(pc) =	sbr.rel @p0 .LBB2_30-.Ltmp15, $4  }
0xf3: {  	_ = 	snop  }
0xf4: {  	v1 =	vadd.f32 v1, v0  }
0xf5: {  	s2 =	sand.u32 $0x3FFFFFF0, s2  }
0xf6: {  	s1 =	sadd.s32 $0xC80, s1;
	[tilespmem:s2+$0x12F80] =	vst v1  }
0xf7: {  	[tilespmem:s12], [sflag:$0x2] =	stream.indirect.gather [hbm4b:s4+s10], $0x10, s22, s10, $0xb8;
	[tilespmem:$0x13410] =	vst v63  }
0xf8: {  	_ =	swait.ge [sflag:s13], $0x6400  }
0xf9: {  	[sflag:s13] =	ssyncset.done $0x0  }
0xfa: {  	s1 =	simm.s32 $0x0;
	s0 =	simm.s32 $0x6420;
	[sflag:s13] =	ssyncadd.s32 $0xFFFF9C00  }
.LBB2_34:
0xfb: {  	v1 =	vmov s0;
	_ =	sdelay $0x3  }
0xfc: {  	s9 =	simm.s32 $0x0  }
0xfd: {  	v2 =	vld.idx.msk [tilespmem:v1+s9+$0x10 ss:$0x1], $0xffff  }
0xfe: {  	v3 =	vld.idx.msk [tilespmem:v1+s9+$0xFFFFFFE0 ss:$0x1], $0xffff  }
0xff: {  	v4 =	vimm.f32 $0.0e+00;
	v5 =	vld.idx.msk [tilespmem:v1+s9+$0xFFFFFFF0 ss:$0x1], $0xffff  }
0x100: {  	s2 =	simm.s32 $0x100;
	v7 =	vimm.f32 $0.0e+00;
	v8 =	vimm.f32 $0.0e+00;
	v9 =	vimm.f32 $0.0e+00;
	v6 =	vld.idx.msk [tilespmem:v1+s9+$0x0 ss:$0x1], $0xffff  }
.LBB2_35:
0x101: {  	p0 =	sne.s32 s2, $0x3100  }
.Ltmp16:
0x102: {  	s9 =	sshra.s32 s2, $0x2;
	s2 =	sadd.s32 $0x100, s2;
	(pc) =	sbr.rel @p0 .LBB2_35-.Ltmp16, $4  }
0x103: {  	v4 =	vadd.f32 v2, v4;
	v2 =	vld.idx.msk [tilespmem:v1+s9+$0x10 ss:$0x1], $0xffff  }
0x104: {  	v7 =	vadd.f32 v3, v7;
	v3 =	vld.idx.msk [tilespmem:v1+s9+$0xFFFFFFE0 ss:$0x1], $0xffff  }
0x105: {  	v8 =	vadd.f32 v5, v8;
	v5 =	vld.idx.msk [tilespmem:v1+s9+$0xFFFFFFF0 ss:$0x1], $0xffff  }
0x106: {  	v9 =	vadd.f32 v6, v9;
	v6 =	vld.idx.msk [tilespmem:v1+s9+$0x0 ss:$0x1], $0xffff  }
0x107: {  	_ =	sdelay $0x2  }
0x108: {  	v1 =	vadd.f32 v2, v4;
	v2 =	vadd.f32 v3, v7  }
0x109: {  	v3 =	vadd.f32 v5, v8;
	v63 =	vadd.f32 v6, v9;
	_ =	sdelay $0x1  }
0x10a: {  	v2 =	vadd.f32 v3, v2;
	v1 =	vadd.f32 v1, v63;
	_ =	sdelay $0x1  }
0x10b: {  	s2 =	sshll.u32 s1, $0x4;
	s1 =	sadd.s32 $0x1, s1;
	v1 =	vadd.f32 v1, v2  }
0x10c: {  	p0 =	sne.s32 s1, $0x8  }
.Ltmp17:
0x10d: {  	v1 =	vmul.f32 $4.999999890e-03, v1;
	(pc) =	sbr.rel @p0 .LBB2_34-.Ltmp17, $4  }
0x10e: {  	_ = 	snop  }
0x10f: {  	v1 =	vadd.f32 v1, v0  }
0x110: {  	s2 =	sand.u32 $0x3FFFFFF0, s2  }
0x111: {  	s0 =	sadd.s32 $0xC80, s0;
	[tilespmem:s2+$0x13000] =	vst v1  }
0x112: {  	s1 =	simm.s32 $0x6400  }
0x113: {  	[tilespmem:s1], [sflag:$0x1] =	stream.indirect.gather [hbm4b:s4+s10], $0x10, s23, s10, $0xb8;
	[tilespmem:$0x13410] =	vst v63  }
0x114: {  	_ =	swait.ge [sflag:s15], $0x6400  }
0x115: {  	[sflag:s15] =	ssyncset.done $0x0  }
0x116: {  	s0 =	simm.s32 $0x0;
	[sflag:s15] =	ssyncadd.s32 $0xFFFF9C00  }
.LBB2_38:
0x117: {  	v1 =	vmov s1;
	_ =	sdelay $0x3  }
0x118: {  	s9 =	simm.s32 $0x0  }
0x119: {  	v2 =	vld.idx.msk [tilespmem:v1+s9+$0x6430 ss:$0x1], $0xffff  }
0x11a: {  	v3 =	vld.idx.msk [tilespmem:v1+s9+$0x6400 ss:$0x1], $0xffff  }
0x11b: {  	v4 =	vimm.f32 $0.0e+00;
	v5 =	vld.idx.msk [tilespmem:v1+s9+$0x6410 ss:$0x1], $0xffff  }
0x11c: {  	s2 =	simm.s32 $0x100;
	v7 =	vimm.f32 $0.0e+00;
	v8 =	vimm.f32 $0.0e+00;
	v9 =	vimm.f32 $0.0e+00;
	v6 =	vld.idx.msk [tilespmem:v1+s9+$0x6420 ss:$0x1], $0xffff  }
.LBB2_39:
0x11d: {  	p0 =	sne.s32 s2, $0x3100  }
.Ltmp18:
0x11e: {  	s9 =	sshra.s32 s2, $0x2;
	s2 =	sadd.s32 $0x100, s2;
	(pc) =	sbr.rel @p0 .LBB2_39-.Ltmp18, $4  }
0x11f: {  	v4 =	vadd.f32 v2, v4;
	v2 =	vld.idx.msk [tilespmem:v1+s9+$0x6430 ss:$0x1], $0xffff  }
0x120: {  	v7 =	vadd.f32 v3, v7;
	v3 =	vld.idx.msk [tilespmem:v1+s9+$0x6400 ss:$0x1], $0xffff  }
0x121: {  	v8 =	vadd.f32 v5, v8;
	v5 =	vld.idx.msk [tilespmem:v1+s9+$0x6410 ss:$0x1], $0xffff  }
0x122: {  	v9 =	vadd.f32 v6, v9;
	v6 =	vld.idx.msk [tilespmem:v1+s9+$0x6420 ss:$0x1], $0xffff  }
0x123: {  	_ =	sdelay $0x2  }
0x124: {  	v1 =	vadd.f32 v2, v4;
	v2 =	vadd.f32 v3, v7  }
0x125: {  	v3 =	vadd.f32 v5, v8;
	v63 =	vadd.f32 v6, v9;
	_ =	sdelay $0x1  }
0x126: {  	v2 =	vadd.f32 v3, v2;
	v1 =	vadd.f32 v1, v63;
	_ =	sdelay $0x1  }
0x127: {  	s2 =	sshll.u32 s0, $0x4;
	s0 =	sadd.s32 $0x1, s0;
	v1 =	vadd.f32 v1, v2  }
0x128: {  	p0 =	sne.s32 s0, $0x8  }
.Ltmp19:
0x129: {  	v1 =	vmul.f32 $4.999999890e-03, v1;
	(pc) =	sbr.rel @p0 .LBB2_38-.Ltmp19, $4  }
0x12a: {  	_ = 	snop  }
0x12b: {  	v1 =	vadd.f32 v1, v0  }
0x12c: {  	s2 =	sand.u32 $0x3FFFFFF0, s2  }
0x12d: {  	s1 =	sadd.s32 $0xC80, s1;
	[tilespmem:s2+$0x13080] =	vst v1  }
0x12e: {  	[tilespmem:s12], [sflag:$0x2] =	stream.indirect.gather [hbm4b:s4+s10], $0x10, s24, s10, $0xb8;
	[tilespmem:$0x13410] =	vst v63  }
0x12f: {  	_ =	swait.ge [sflag:s13], $0x6400  }
0x130: {  	[sflag:s13] =	ssyncset.done $0x0  }
0x131: {  	s1 =	simm.s32 $0x0;
	s0 =	simm.s32 $0x6420;
	[sflag:s13] =	ssyncadd.s32 $0xFFFF9C00  }
.LBB2_42:
0x132: {  	v1 =	vmov s0;
	_ =	sdelay $0x3  }
0x133: {  	s9 =	simm.s32 $0x0  }
0x134: {  	v2 =	vld.idx.msk [tilespmem:v1+s9+$0x10 ss:$0x1], $0xffff  }
0x135: {  	v3 =	vld.idx.msk [tilespmem:v1+s9+$0xFFFFFFE0 ss:$0x1], $0xffff  }
0x136: {  	v4 =	vimm.f32 $0.0e+00;
	v5 =	vld.idx.msk [tilespmem:v1+s9+$0xFFFFFFF0 ss:$0x1], $0xffff  }
0x137: {  	s2 =	simm.s32 $0x100;
	v7 =	vimm.f32 $0.0e+00;
	v8 =	vimm.f32 $0.0e+00;
	v9 =	vimm.f32 $0.0e+00;
	v6 =	vld.idx.msk [tilespmem:v1+s9+$0x0 ss:$0x1], $0xffff  }
.LBB2_43:
0x138: {  	p0 =	sne.s32 s2, $0x3100  }
.Ltmp20:
0x139: {  	s9 =	sshra.s32 s2, $0x2;
	s2 =	sadd.s32 $0x100, s2;
	(pc) =	sbr.rel @p0 .LBB2_43-.Ltmp20, $4  }
0x13a: {  	v4 =	vadd.f32 v2, v4;
	v2 =	vld.idx.msk [tilespmem:v1+s9+$0x10 ss:$0x1], $0xffff  }
0x13b: {  	v7 =	vadd.f32 v3, v7;
	v3 =	vld.idx.msk [tilespmem:v1+s9+$0xFFFFFFE0 ss:$0x1], $0xffff  }
0x13c: {  	v8 =	vadd.f32 v5, v8;
	v5 =	vld.idx.msk [tilespmem:v1+s9+$0xFFFFFFF0 ss:$0x1], $0xffff  }
0x13d: {  	v9 =	vadd.f32 v6, v9;
	v6 =	vld.idx.msk [tilespmem:v1+s9+$0x0 ss:$0x1], $0xffff  }
0x13e: {  	_ =	sdelay $0x2  }
0x13f: {  	v1 =	vadd.f32 v2, v4;
	v2 =	vadd.f32 v3, v7  }
0x140: {  	v3 =	vadd.f32 v5, v8;
	v63 =	vadd.f32 v6, v9;
	_ =	sdelay $0x1  }
0x141: {  	v2 =	vadd.f32 v3, v2;
	v1 =	vadd.f32 v1, v63;
	_ =	sdelay $0x1  }
0x142: {  	s2 =	sshll.u32 s1, $0x4;
	s1 =	sadd.s32 $0x1, s1;
	v1 =	vadd.f32 v1, v2  }
0x143: {  	p0 =	sne.s32 s1, $0x8  }
.Ltmp21:
0x144: {  	v1 =	vmul.f32 $4.999999890e-03, v1;
	(pc) =	sbr.rel @p0 .LBB2_42-.Ltmp21, $4  }
0x145: {  	_ = 	snop  }
0x146: {  	v1 =	vadd.f32 v1, v0  }
0x147: {  	s2 =	sand.u32 $0x3FFFFFF0, s2  }
0x148: {  	s0 =	sadd.s32 $0xC80, s0;
	[tilespmem:s2+$0x13100] =	vst v1  }
0x149: {  	s1 =	simm.s32 $0x6400  }
0x14a: {  	[tilespmem:s1], [sflag:$0x1] =	stream.indirect.gather [hbm4b:s4+s10], $0x10, s25, s10, $0xb8;
	[tilespmem:$0x13410] =	vst v63  }
0x14b: {  	_ =	swait.ge [sflag:s15], $0x6400  }
0x14c: {  	[sflag:s15] =	ssyncset.done $0x0  }
0x14d: {  	s0 =	simm.s32 $0x0;
	[sflag:s15] =	ssyncadd.s32 $0xFFFF9C00  }
.LBB2_46:
0x14e: {  	v1 =	vmov s1;
	_ =	sdelay $0x3  }
0x14f: {  	s9 =	simm.s32 $0x0  }
0x150: {  	v2 =	vld.idx.msk [tilespmem:v1+s9+$0x6430 ss:$0x1], $0xffff  }
0x151: {  	v3 =	vld.idx.msk [tilespmem:v1+s9+$0x6400 ss:$0x1], $0xffff  }
0x152: {  	v4 =	vimm.f32 $0.0e+00;
	v5 =	vld.idx.msk [tilespmem:v1+s9+$0x6410 ss:$0x1], $0xffff  }
0x153: {  	s2 =	simm.s32 $0x100;
	v7 =	vimm.f32 $0.0e+00;
	v8 =	vimm.f32 $0.0e+00;
	v9 =	vimm.f32 $0.0e+00;
	v6 =	vld.idx.msk [tilespmem:v1+s9+$0x6420 ss:$0x1], $0xffff  }
.LBB2_47:
0x154: {  	p0 =	sne.s32 s2, $0x3100  }
.Ltmp22:
0x155: {  	s9 =	sshra.s32 s2, $0x2;
	s2 =	sadd.s32 $0x100, s2;
	(pc) =	sbr.rel @p0 .LBB2_47-.Ltmp22, $4  }
0x156: {  	v4 =	vadd.f32 v2, v4;
	v2 =	vld.idx.msk [tilespmem:v1+s9+$0x6430 ss:$0x1], $0xffff  }
0x157: {  	v7 =	vadd.f32 v3, v7;
	v3 =	vld.idx.msk [tilespmem:v1+s9+$0x6400 ss:$0x1], $0xffff  }
0x158: {  	v8 =	vadd.f32 v5, v8;
	v5 =	vld.idx.msk [tilespmem:v1+s9+$0x6410 ss:$0x1], $0xffff  }
0x159: {  	v9 =	vadd.f32 v6, v9;
	v6 =	vld.idx.msk [tilespmem:v1+s9+$0x6420 ss:$0x1], $0xffff  }
0x15a: {  	_ =	sdelay $0x2  }
0x15b: {  	v1 =	vadd.f32 v2, v4;
	v2 =	vadd.f32 v3, v7  }
0x15c: {  	v3 =	vadd.f32 v5, v8;
	v63 =	vadd.f32 v6, v9;
	_ =	sdelay $0x1  }
0x15d: {  	v2 =	vadd.f32 v3, v2;
	v1 =	vadd.f32 v1, v63;
	_ =	sdelay $0x1  }
0x15e: {  	s2 =	sshll.u32 s0, $0x4;
	s0 =	sadd.s32 $0x1, s0;
	v1 =	vadd.f32 v1, v2  }
0x15f: {  	p0 =	sne.s32 s0, $0x8  }
.Ltmp23:
0x160: {  	v1 =	vmul.f32 $4.999999890e-03, v1;
	(pc) =	sbr.rel @p0 .LBB2_46-.Ltmp23, $4  }
0x161: {  	_ = 	snop  }
0x162: {  	v1 =	vadd.f32 v1, v0  }
0x163: {  	s2 =	sand.u32 $0x3FFFFFF0, s2  }
0x164: {  	s1 =	sadd.s32 $0xC80, s1;
	[tilespmem:s2+$0x13180] =	vst v1  }
0x165: {  	[tilespmem:s12], [sflag:$0x2] =	stream.indirect.gather [hbm4b:s4+s10], $0x10, s26, s10, $0xb8;
	[tilespmem:$0x13410] =	vst v63  }
0x166: {  	_ =	swait.ge [sflag:s13], $0x6400  }
0x167: {  	[sflag:s13] =	ssyncset.done $0x0  }
0x168: {  	s1 =	simm.s32 $0x0;
	s0 =	simm.s32 $0x6420;
	[sflag:s13] =	ssyncadd.s32 $0xFFFF9C00  }
.LBB2_50:
0x169: {  	v1 =	vmov s0;
	_ =	sdelay $0x3  }
0x16a: {  	s9 =	simm.s32 $0x0  }
0x16b: {  	v2 =	vld.idx.msk [tilespmem:v1+s9+$0x10 ss:$0x1], $0xffff  }
0x16c: {  	v3 =	vld.idx.msk [tilespmem:v1+s9+$0xFFFFFFE0 ss:$0x1], $0xffff  }
0x16d: {  	v4 =	vimm.f32 $0.0e+00;
	v5 =	vld.idx.msk [tilespmem:v1+s9+$0xFFFFFFF0 ss:$0x1], $0xffff  }
0x16e: {  	s2 =	simm.s32 $0x100;
	v7 =	vimm.f32 $0.0e+00;
	v8 =	vimm.f32 $0.0e+00;
	v9 =	vimm.f32 $0.0e+00;
	v6 =	vld.idx.msk [tilespmem:v1+s9+$0x0 ss:$0x1], $0xffff  }
.LBB2_51:
0x16f: {  	p0 =	sne.s32 s2, $0x3100  }
.Ltmp24:
0x170: {  	s9 =	sshra.s32 s2, $0x2;
	s2 =	sadd.s32 $0x100, s2;
	(pc) =	sbr.rel @p0 .LBB2_51-.Ltmp24, $4  }
0x171: {  	v4 =	vadd.f32 v2, v4;
	v2 =	vld.idx.msk [tilespmem:v1+s9+$0x10 ss:$0x1], $0xffff  }
0x172: {  	v7 =	vadd.f32 v3, v7;
	v3 =	vld.idx.msk [tilespmem:v1+s9+$0xFFFFFFE0 ss:$0x1], $0xffff  }
0x173: {  	v8 =	vadd.f32 v5, v8;
	v5 =	vld.idx.msk [tilespmem:v1+s9+$0xFFFFFFF0 ss:$0x1], $0xffff  }
0x174: {  	v9 =	vadd.f32 v6, v9;
	v6 =	vld.idx.msk [tilespmem:v1+s9+$0x0 ss:$0x1], $0xffff  }
0x175: {  	_ =	sdelay $0x2  }
0x176: {  	v1 =	vadd.f32 v2, v4;
	v2 =	vadd.f32 v3, v7  }
0x177: {  	v3 =	vadd.f32 v5, v8;
	v63 =	vadd.f32 v6, v9;
	_ =	sdelay $0x1  }
0x178: {  	v2 =	vadd.f32 v3, v2;
	v1 =	vadd.f32 v1, v63;
	_ =	sdelay $0x1  }
0x179: {  	s2 =	sshll.u32 s1, $0x4;
	s1 =	sadd.s32 $0x1, s1;
	v1 =	vadd.f32 v1, v2  }
0x17a: {  	p0 =	sne.s32 s1, $0x8  }
.Ltmp25:
0x17b: {  	v1 =	vmul.f32 $4.999999890e-03, v1;
	(pc) =	sbr.rel @p0 .LBB2_50-.Ltmp25, $4  }
0x17c: {  	_ = 	snop  }
0x17d: {  	v1 =	vadd.f32 v1, v0  }
0x17e: {  	s2 =	sand.u32 $0x3FFFFFF0, s2  }
0x17f: {  	s0 =	sadd.s32 $0xC80, s0;
	[tilespmem:s2+$0x13200] =	vst v1  }
0x180: {  	s1 =	simm.s32 $0x6400  }
0x181: {  	[tilespmem:s1], [sflag:$0x1] =	stream.indirect.gather [hbm4b:s4+s10], $0x10, s28, s10, $0xb8;
	[tilespmem:$0x13410] =	vst v63  }
0x182: {  	_ =	swait.ge [sflag:s15], $0x6400  }
0x183: {  	[sflag:s15] =	ssyncset.done $0x0  }
0x184: {  	s0 =	simm.s32 $0x0;
	[sflag:s15] =	ssyncadd.s32 $0xFFFF9C00  }
.LBB2_54:
0x185: {  	v1 =	vmov s1;
	_ =	sdelay $0x3  }
0x186: {  	s9 =	simm.s32 $0x0  }
0x187: {  	v2 =	vld.idx.msk [tilespmem:v1+s9+$0x6430 ss:$0x1], $0xffff  }
0x188: {  	v3 =	vld.idx.msk [tilespmem:v1+s9+$0x6400 ss:$0x1], $0xffff  }
0x189: {  	v4 =	vimm.f32 $0.0e+00;
	v5 =	vld.idx.msk [tilespmem:v1+s9+$0x6410 ss:$0x1], $0xffff  }
0x18a: {  	s2 =	simm.s32 $0x100;
	v7 =	vimm.f32 $0.0e+00;
	v8 =	vimm.f32 $0.0e+00;
	v9 =	vimm.f32 $0.0e+00;
	v6 =	vld.idx.msk [tilespmem:v1+s9+$0x6420 ss:$0x1], $0xffff  }
.LBB2_55:
0x18b: {  	p0 =	sne.s32 s2, $0x3100  }
.Ltmp26:
0x18c: {  	s9 =	sshra.s32 s2, $0x2;
	s2 =	sadd.s32 $0x100, s2;
	(pc) =	sbr.rel @p0 .LBB2_55-.Ltmp26, $4  }
0x18d: {  	v4 =	vadd.f32 v2, v4;
	v2 =	vld.idx.msk [tilespmem:v1+s9+$0x6430 ss:$0x1], $0xffff  }
0x18e: {  	v7 =	vadd.f32 v3, v7;
	v3 =	vld.idx.msk [tilespmem:v1+s9+$0x6400 ss:$0x1], $0xffff  }
0x18f: {  	v8 =	vadd.f32 v5, v8;
	v5 =	vld.idx.msk [tilespmem:v1+s9+$0x6410 ss:$0x1], $0xffff  }
0x190: {  	v9 =	vadd.f32 v6, v9;
	v6 =	vld.idx.msk [tilespmem:v1+s9+$0x6420 ss:$0x1], $0xffff  }
0x191: {  	_ =	sdelay $0x2  }
0x192: {  	v1 =	vadd.f32 v2, v4;
	v2 =	vadd.f32 v3, v7  }
0x193: {  	v3 =	vadd.f32 v5, v8;
	v63 =	vadd.f32 v6, v9;
	_ =	sdelay $0x1  }
0x194: {  	v2 =	vadd.f32 v3, v2;
	v1 =	vadd.f32 v1, v63;
	_ =	sdelay $0x1  }
0x195: {  	s2 =	sshll.u32 s0, $0x4;
	s0 =	sadd.s32 $0x1, s0;
	v1 =	vadd.f32 v1, v2  }
0x196: {  	p0 =	sne.s32 s0, $0x8  }
.Ltmp27:
0x197: {  	v1 =	vmul.f32 $4.999999890e-03, v1;
	(pc) =	sbr.rel @p0 .LBB2_54-.Ltmp27, $4  }
0x198: {  	_ = 	snop  }
0x199: {  	v1 =	vadd.f32 v1, v0  }
0x19a: {  	s2 =	sand.u32 $0x3FFFFFF0, s2  }
0x19b: {  	s1 =	sadd.s32 $0xC80, s1;
	[tilespmem:s2+$0x13280] =	vst v1  }
0x19c: {  	[tilespmem:s12], [sflag:$0x2] =	stream.indirect.gather [hbm4b:s4+s10], $0x10, s29, s10, $0xb8;
	[tilespmem:$0x13410] =	vst v63  }
0x19d: {  	_ =	swait.ge [sflag:s13], $0x6400  }
0x19e: {  	[sflag:s13] =	ssyncset.done $0x0  }
0x19f: {  	s1 =	simm.s32 $0x0;
	s0 =	simm.s32 $0x6420;
	[sflag:s13] =	ssyncadd.s32 $0xFFFF9C00  }
.LBB2_58:
0x1a0: {  	v1 =	vmov s0;
	_ =	sdelay $0x3  }
0x1a1: {  	s9 =	simm.s32 $0x0  }
0x1a2: {  	v2 =	vld.idx.msk [tilespmem:v1+s9+$0x10 ss:$0x1], $0xffff  }
0x1a3: {  	v3 =	vld.idx.msk [tilespmem:v1+s9+$0xFFFFFFE0 ss:$0x1], $0xffff  }
0x1a4: {  	v4 =	vimm.f32 $0.0e+00;
	v5 =	vld.idx.msk [tilespmem:v1+s9+$0xFFFFFFF0 ss:$0x1], $0xffff  }
0x1a5: {  	s2 =	simm.s32 $0x100;
	v7 =	vimm.f32 $0.0e+00;
	v8 =	vimm.f32 $0.0e+00;
	v9 =	vimm.f32 $0.0e+00;
	v6 =	vld.idx.msk [tilespmem:v1+s9+$0x0 ss:$0x1], $0xffff  }
.LBB2_59:
0x1a6: {  	p0 =	sne.s32 s2, $0x3100  }
.Ltmp28:
0x1a7: {  	s9 =	sshra.s32 s2, $0x2;
	s2 =	sadd.s32 $0x100, s2;
	(pc) =	sbr.rel @p0 .LBB2_59-.Ltmp28, $4  }
0x1a8: {  	v4 =	vadd.f32 v2, v4;
	v2 =	vld.idx.msk [tilespmem:v1+s9+$0x10 ss:$0x1], $0xffff  }
0x1a9: {  	v7 =	vadd.f32 v3, v7;
	v3 =	vld.idx.msk [tilespmem:v1+s9+$0xFFFFFFE0 ss:$0x1], $0xffff  }
0x1aa: {  	v8 =	vadd.f32 v5, v8;
	v5 =	vld.idx.msk [tilespmem:v1+s9+$0xFFFFFFF0 ss:$0x1], $0xffff  }
0x1ab: {  	v9 =	vadd.f32 v6, v9;
	v6 =	vld.idx.msk [tilespmem:v1+s9+$0x0 ss:$0x1], $0xffff  }
0x1ac: {  	_ =	sdelay $0x2  }
0x1ad: {  	v1 =	vadd.f32 v2, v4;
	v2 =	vadd.f32 v3, v7  }
0x1ae: {  	v3 =	vadd.f32 v5, v8;
	v63 =	vadd.f32 v6, v9;
	_ =	sdelay $0x1  }
0x1af: {  	v2 =	vadd.f32 v3, v2;
	v1 =	vadd.f32 v1, v63;
	_ =	sdelay $0x1  }
0x1b0: {  	s2 =	sshll.u32 s1, $0x4;
	s1 =	sadd.s32 $0x1, s1;
	v1 =	vadd.f32 v1, v2  }
0x1b1: {  	p0 =	sne.s32 s1, $0x8  }
.Ltmp29:
0x1b2: {  	v1 =	vmul.f32 $4.999999890e-03, v1;
	(pc) =	sbr.rel @p0 .LBB2_58-.Ltmp29, $4  }
0x1b3: {  	_ = 	snop  }
0x1b4: {  	v1 =	vadd.f32 v1, v0  }
0x1b5: {  	s2 =	sand.u32 $0x3FFFFFF0, s2  }
0x1b6: {  	s0 =	sadd.s32 $0xC80, s0;
	[tilespmem:s2+$0x13300] =	vst v1  }
0x1b7: {  	_ =	swait.ge [sflag:s15], $0x6400  }
0x1b8: {  	[sflag:s15] =	ssyncset.done $0x0  }
0x1b9: {  	s1 =	simm.s32 $0x0;
	s0 =	simm.s32 $0x6400;
	[sflag:s15] =	ssyncadd.s32 $0xFFFF9C00  }
.LBB2_62:
0x1ba: {  	v1 =	vmov s0;
	_ =	sdelay $0x3  }
0x1bb: {  	s9 =	simm.s32 $0x0  }
0x1bc: {  	v2 =	vld.idx.msk [tilespmem:v1+s9+$0x6430 ss:$0x1], $0xffff  }
0x1bd: {  	v3 =	vld.idx.msk [tilespmem:v1+s9+$0x6400 ss:$0x1], $0xffff  }
0x1be: {  	v4 =	vimm.f32 $0.0e+00;
	v5 =	vld.idx.msk [tilespmem:v1+s9+$0x6410 ss:$0x1], $0xffff  }
0x1bf: {  	s2 =	simm.s32 $0x100;
	v7 =	vimm.f32 $0.0e+00;
	v8 =	vimm.f32 $0.0e+00;
	v9 =	vimm.f32 $0.0e+00;
	v6 =	vld.idx.msk [tilespmem:v1+s9+$0x6420 ss:$0x1], $0xffff  }
.LBB2_63:
0x1c0: {  	p0 =	sne.s32 s2, $0x3100  }
.Ltmp30:
0x1c1: {  	s9 =	sshra.s32 s2, $0x2;
	s2 =	sadd.s32 $0x100, s2;
	(pc) =	sbr.rel @p0 .LBB2_63-.Ltmp30, $4  }
0x1c2: {  	v4 =	vadd.f32 v2, v4;
	v2 =	vld.idx.msk [tilespmem:v1+s9+$0x6430 ss:$0x1], $0xffff  }
0x1c3: {  	v7 =	vadd.f32 v3, v7;
	v3 =	vld.idx.msk [tilespmem:v1+s9+$0x6400 ss:$0x1], $0xffff  }
0x1c4: {  	v8 =	vadd.f32 v5, v8;
	v5 =	vld.idx.msk [tilespmem:v1+s9+$0x6410 ss:$0x1], $0xffff  }
0x1c5: {  	v9 =	vadd.f32 v6, v9;
	v6 =	vld.idx.msk [tilespmem:v1+s9+$0x6420 ss:$0x1], $0xffff  }
0x1c6: {  	_ =	sdelay $0x2  }
0x1c7: {  	v1 =	vadd.f32 v2, v4;
	v2 =	vadd.f32 v3, v7  }
0x1c8: {  	v3 =	vadd.f32 v5, v8;
	v63 =	vadd.f32 v6, v9;
	_ =	sdelay $0x1  }
0x1c9: {  	v2 =	vadd.f32 v3, v2;
	v1 =	vadd.f32 v1, v63;
	_ =	sdelay $0x1  }
0x1ca: {  	s2 =	sshll.u32 s1, $0x4;
	s1 =	sadd.s32 $0x1, s1;
	v1 =	vadd.f32 v1, v2  }
0x1cb: {  	p0 =	sne.s32 s1, $0x8  }
.Ltmp31:
0x1cc: {  	v1 =	vmul.f32 $4.999999890e-03, v1;
	(pc) =	sbr.rel @p0 .LBB2_62-.Ltmp31, $4  }
0x1cd: {  	_ = 	snop  }
0x1ce: {  	v1 =	vadd.f32 v1, v0  }
0x1cf: {  	s2 =	sand.u32 $0x3FFFFFF0, s2  }
0x1d0: {  	s0 =	sadd.s32 $0xC80, s0;
	[tilespmem:s2+$0x13380] =	vst v1  }
0x1d1: {  	s31 =	sadd.s32 $0x1, s31  }
0x1d2: {  	p0 =	sne.s32 s31, s7  }
.Ltmp32:
0x1d3: {  	_ = 	snop;
	(pc) =	sbr.rel @p0 .LBB2_1-.Ltmp32, $4  }
0x1d4: {  	[hbm4b:s6+s3] =	stream.linear.scatter [tilespmem:s30], [sflag:$0x3], $0x800, $0x38;
	[tilespmem:$0x13410] =	vst v63  }
0x1d5: {  	_ =	swait.ge [sflag:s8], $0x800  }
0x1d6: {  	[sflag:s8] =	ssyncset.done $0x0  }
0x1d7: {  	[sflag:s8] =	ssyncadd.s32 $0xFFFFF800  }
0x1d8: {  	_ =	sfence.sel $0x180000  }
0x1d9: {  	[bflag:$0x0] =	sbarrier.arrive $0xFFFF  }
0x1da: {  	_ =	strace $0x90000047  }
0x1db: {  	s0 =	stileid.u32;
	[bflag:$0x2] =	sbarrier.arrive $0xFFFF  }
0x1dc: {  	p0 =	sne.s32 s0, $0x0;
	s0 =	rddreg [dreg:$0x2]  }
0x1dd: {  	s0 =	sadd.s32 @!p0 $0x100000, s0  }
0x1de: {  	[sflag:s0] =	ssyncadd.tile.s32 @!p0 $0x1;
	_ =	shalt  }
.Lfunc_end2:
_tile_overlayer_lowered:
.L_overlay_start_2:
0x1df: {  	(tag) =	ssettag $0x2  }
0x1e0: {  	s0 =	rddreg [dreg:$0x0];
	s2 =	stileid.u32  }
0x1e1: {  	s1 =	rddreg [dreg:$0x1];
	p0 =	sne.s32 s2, $0x0  }
0x1e2: {  	s3 =	rddreg [dreg:$0x2];
	[bflag:$0x3] =	sbarrier.arrive $0xFFFF;
	s2 =	simm.s32 @!p0 $0x1C03  }
0x1e3: {  	[timem:s3], [sflag:s2] =	dma.local @!p0 [hbm:s0], s1  }
0x1e4: {  	s0 =	simm.s32 @!p0 $0x3  }
0x1e5: {  	_ =	swait.ge @!p0 [sflag:s0], s1  }
0x1e6: {  	s1 =	ssub.s32 @!p0 $0x0, s1;
	[sflag:s0] =	ssyncset.done @!p0 $0x0  }
0x1e7: {  	[sflag:s0] =	ssyncadd.s32 @!p0 s1  }
0x1e8: {  	[bflag:$0x3] =	sbarrier.arrive $0xFFFF  }
0x1e9: {  	_ =	shalt  }

</sc_bundles>
